<compile_context>
chip_gen: v7x
topology: tpu7x:2x2x1
jax: 0.10.2.dev20260603
libtpu: 0.0.44.dev20260713+nightly
codegen_flags: <defaults>
</compile_context>

<pallas_src>
import jax
import jax.numpy as jnp
from jax import lax
from jax.experimental import pallas as pl
from jax.experimental.pallas import tpu as pltpu
from jax.experimental.pallas import tpu_sc as plsc

_ROWS = 4096
_COLS = 512
_N = _ROWS * _COLS

_TC_ROWS = 3072
_SC_ROWS = _ROWS - _TC_ROWS

_NW = 32
_ROWS_W = _SC_ROWS // _NW
_CH_ROWS = 16
_NCH = _ROWS_W // _CH_ROWS
_UNROLL = 8
_VSTEPS = _CH_ROWS * (_COLS // 16) // _UNROLL

_TC_BLK = 512

_C = (
    6.944574454159635e-05,
    0.996261948233795,
    -0.46644243862757173,
    0.21866548366223043,
    -0.055459313742085355,
)


def _sc_body(x_hbm, y_hbm, out_hbm, xb0, yb0, xb1, yb1, accv, sem0, sem1):
    wid = lax.axis_index("s") * 2 + lax.axis_index("c")
    base_row = _TC_ROWS + wid * _ROWS_W
    zero = jnp.zeros((16,), jnp.float32)
    bufs = ((xb0, yb0, sem0), (xb1, yb1, sem1))

    def start(ci):
        xb, yb, sm = bufs[ci & 1]
        r0 = base_row + ci * _CH_ROWS
        hx = pltpu.async_copy(x_hbm.at[pl.ds(r0, _CH_ROWS)], xb, sm)
        hy = pltpu.async_copy(y_hbm.at[pl.ds(r0, _CH_ROWS)], yb, sm)
        return hx, hy

    def chunk(xb, yb, carry):
        def vstep(vi, carry2):
            t, f, c = carry2
            r = vi // 4
            cb = (vi % 4) * 128
            for u in range(_UNROLL):
                x = xb[r, pl.ds(cb + u * 16, 16)]
                y = yb[r, pl.ds(cb + u * 16, 16)]
                xy = x * y
                w = jnp.exp(jnp.minimum(x, -x))
                l1p = ((((_C[4] * w + _C[3]) * w + _C[2]) * w + _C[1]) * w
                       + _C[0])
                per = jnp.maximum(x, 0.0) - xy + l1p
                t = t + per
                f = f + per * y
                c = c + y
            return (t, f, c)

        return lax.fori_loop(0, _VSTEPS, vstep, carry)

    handles = {0: start(0)}
    carry = (zero, zero, zero)
    for ci in range(_NCH):
        if ci + 1 < _NCH:
            handles[ci + 1] = start(ci + 1)
        hx, hy = handles.pop(ci)
        hx.wait()
        hy.wait()
        xb, yb, _ = bufs[ci & 1]
        carry = chunk(xb, yb, carry)

    t_acc, f_acc, c_acc = carry
    accv[pl.ds(0, 16)] = t_acc
    accv[pl.ds(16, 16)] = f_acc
    accv[pl.ds(32, 16)] = c_acc
    pltpu.sync_copy(accv, out_hbm.at[wid])


def _sc_partials(x, y):
    mesh = plsc.VectorSubcoreMesh(core_axis_name="c", subcore_axis_name="s")
    return pl.kernel(
        _sc_body,
        mesh=mesh,
        out_type=jax.ShapeDtypeStruct((_NW, 48), jnp.float32),
        scratch_types=[
            pltpu.VMEM((_CH_ROWS, _COLS), jnp.float32),
            pltpu.VMEM((_CH_ROWS, _COLS), jnp.float32),
            pltpu.VMEM((_CH_ROWS, _COLS), jnp.float32),
            pltpu.VMEM((_CH_ROWS, _COLS), jnp.float32),
            pltpu.VMEM((48,), jnp.float32),
            pltpu.SemaphoreType.DMA,
            pltpu.SemaphoreType.DMA,
        ],
    )(x, y)


def _tc_body(x_ref, y_ref, acc_ref):
    i = pl.program_id(0)

    @pl.when(i == 0)
    def _init():
        acc_ref[0] = 0.0
        acc_ref[1] = 0.0
        acc_ref[2] = 0.0

    x = x_ref[...]
    y = y_ref[...]
    per = jnp.maximum(x, 0.0) - x * y + jnp.log1p(jnp.exp(-jnp.abs(x)))
    acc_ref[0] += jnp.sum(per)
    acc_ref[1] += jnp.sum(per * y)
    acc_ref[2] += jnp.sum(y)


def _tc_partials(x, y):
    return pl.pallas_call(
        _tc_body,
        grid=(_TC_ROWS // _TC_BLK,),
        in_specs=[
            pl.BlockSpec((_TC_BLK, _COLS), lambda i: (i, 0)),
            pl.BlockSpec((_TC_BLK, _COLS), lambda i: (i, 0)),
        ],
        out_specs=pl.BlockSpec(memory_space=pltpu.SMEM),
        out_shape=jax.ShapeDtypeStruct((3,), jnp.float32),
    )(x, y)


def kernel(output, target):
    x = output.reshape(_ROWS, _COLS)
    y = target.reshape(_ROWS, _COLS)
    ps = _sc_partials(x, y).reshape(_NW, 3, 16).sum(axis=(0, 2))
    if _TC_ROWS:
        ps = ps + _tc_partials(x, y)
    tot, fg, cnt = ps[0], ps[1], ps[2]
    bg_cnt = jnp.maximum(float(_N) - cnt, 1.0)
    fg_cnt = jnp.maximum(cnt, 1.0)
    return (tot - fg) / bg_cnt + fg / fg_cnt

# --- scband reference (transcript-rebuilt; emitter-appended) ---
"""Pipeline reference for scband-se-ganloss-84670985273545 (READ-ONLY COPY).

The authoritative reference and input builder live on the scoring server;
editing this copy changes nothing except your own understanding.
"""

import jax, jax.numpy as jnp
import numpy as np


def _bce_with_logits(x, y):
    # numerically stable BCEWithLogits, matching torch.nn.BCEWithLogitsLoss per-element
    return jnp.maximum(x, 0.0) - x * y + jnp.log1p(jnp.exp(-jnp.abs(x)))


def setup_inputs(seed: int = 0) -> dict:
    key = jax.random.key(seed)
    k1, k2 = jax.random.split(key)
    output = jax.random.normal(k1, (8, 1, 512, 512), dtype=jnp.float32)
    target = jax.random.randint(k2, (8, 1, 512, 512), 0, 2).astype(jnp.float32)
    return {"output": output, "target": target}


def reference(output, target):
    # masks: background = (target == 0), foreground = (target == 1)
    bg = (target == 0).astype(jnp.float32)
    fg = (target == 1).astype(jnp.float32)
    per_elem = _bce_with_logits(output, target)
    # BCEWithLogitsLoss(size_average=True) over the masked subsets == masked mean
    bg_count = jnp.maximum(jnp.sum(bg), 1.0)
    fg_count = jnp.maximum(jnp.sum(fg), 1.0)
    background_loss = jnp.sum(per_elem * bg) / bg_count
    foreground_loss = jnp.sum(per_elem * fg) / fg_count
    return background_loss + foreground_loss

if __name__ == "__main__":
    import jax
    _d = setup_inputs()
    print(jax.jit(kernel)(*tuple(_d.values())))

</pallas_src>

<mosaic_0001>
#map = affine_map<(d0, d1) -> (0, 0)>
module attributes {stable_mosaic.version = 14 : i64} {
  func.func @_sc_body(%arg0: i32, %arg1: i32, %arg2: memref<4096x512xf32, #tpu.memory_space<hbm>>, %arg3: memref<4096x512xf32, #tpu.memory_space<hbm>>, %arg4: memref<32x48xf32, #tpu.memory_space<hbm>>, %arg5: memref<16x512xf32, #tpu.memory_space<vmem>>, %arg6: memref<16x512xf32, #tpu.memory_space<vmem>>, %arg7: memref<16x512xf32, #tpu.memory_space<vmem>>, %arg8: memref<16x512xf32, #tpu.memory_space<vmem>>, %arg9: memref<48xf32, #tpu.memory_space<vmem>>, %arg10: memref<!tpu.dma_semaphore, #tpu.memory_space<semaphore_mem>>, %arg11: memref<!tpu.dma_semaphore, #tpu.memory_space<semaphore_mem>>) attributes {dimension_semantics = [#tpu.dimension_semantics<core_parallel>, #tpu.dimension_semantics<subcore_parallel>], iteration_bounds = array<i64: 2, 16>, scalar_prefetch = 0 : i64, scratch_operands = 7 : i64, tpu.core_type = #tpu.core_type<sc_vector_subcore>, window_params = [{transform_indices = #map}, {transform_indices = #map}, {transform_indices = #map}]} {
    %mul3A = arith.constant 2 : i32
    %mul3A_0 = arith.muli %arg1, %mul3A : i32
    %add3A = arith.addi %mul3A_0, %arg0 : i32
    %mul3A_1 = arith.constant 32 : i32
    %mul3A_2 = arith.muli %add3A, %mul3A_1 : i32
    %add3A_3 = arith.constant 3072 : i32
    %add3A_4 = arith.addi %add3A_3, %mul3A_2 : i32
    %broadcast_in_dim3A = arith.constant 0.000000e+00 : f32
    %broadcast_in_dim3A_5 = vector.broadcast %broadcast_in_dim3A : f32 to vector<16xf32>
    %add3A_6 = arith.constant 0 : i32
    %add3A_7 = arith.addi %add3A_4, %add3A_6 : i32
    %dma_start3A = arith.constant 0 : i32
    %dma_start3A_8 = tpu.memref_slice %arg2[%add3A_7, %dma_start3A] : memref<4096x512xf32, #tpu.memory_space<hbm>> -> memref<16x512xf32, #tpu.memory_space<hbm>>
    %dma_start3A_9 = arith.constant 0 : i32
    %dma_start3A_10 = tpu.memref_slice %arg2[%add3A_7, %dma_start3A_9] : memref<4096x512xf32, #tpu.memory_space<hbm>> -> memref<16x512xf32, #tpu.memory_space<hbm>>
    tpu.enqueue_dma source(%dma_start3A_10 : memref<16x512xf32, #tpu.memory_space<hbm>>) target(%arg5 : memref<16x512xf32, #tpu.memory_space<vmem>>) target_semaphore(%arg10 : memref<!tpu.dma_semaphore, #tpu.memory_space<semaphore_mem>>)
    %dma_start3A_11 = arith.constant 0 : i32
    %dma_start3A_12 = tpu.memref_slice %arg3[%add3A_7, %dma_start3A_11] : memref<4096x512xf32, #tpu.memory_space<hbm>> -> memref<16x512xf32, #tpu.memory_space<hbm>>
    %dma_start3A_13 = arith.constant 0 : i32
    %dma_start3A_14 = tpu.memref_slice %arg3[%add3A_7, %dma_start3A_13] : memref<4096x512xf32, #tpu.memory_space<hbm>> -> memref<16x512xf32, #tpu.memory_space<hbm>>
    tpu.enqueue_dma source(%dma_start3A_14 : memref<16x512xf32, #tpu.memory_space<hbm>>) target(%arg6 : memref<16x512xf32, #tpu.memory_space<vmem>>) target_semaphore(%arg10 : memref<!tpu.dma_semaphore, #tpu.memory_space<semaphore_mem>>)
    %add3A_15 = arith.constant 16 : i32
    %add3A_16 = arith.addi %add3A_4, %add3A_15 : i32
    %dma_start3A_17 = arith.constant 0 : i32
    %dma_start3A_18 = tpu.memref_slice %arg2[%add3A_16, %dma_start3A_17] : memref<4096x512xf32, #tpu.memory_space<hbm>> -> memref<16x512xf32, #tpu.memory_space<hbm>>
    %dma_start3A_19 = arith.constant 0 : i32
    %dma_start3A_20 = tpu.memref_slice %arg2[%add3A_16, %dma_start3A_19] : memref<4096x512xf32, #tpu.memory_space<hbm>> -> memref<16x512xf32, #tpu.memory_space<hbm>>
    tpu.enqueue_dma source(%dma_start3A_20 : memref<16x512xf32, #tpu.memory_space<hbm>>) target(%arg7 : memref<16x512xf32, #tpu.memory_space<vmem>>) target_semaphore(%arg11 : memref<!tpu.dma_semaphore, #tpu.memory_space<semaphore_mem>>)
    %dma_start3A_21 = arith.constant 0 : i32
    %dma_start3A_22 = tpu.memref_slice %arg3[%add3A_16, %dma_start3A_21] : memref<4096x512xf32, #tpu.memory_space<hbm>> -> memref<16x512xf32, #tpu.memory_space<hbm>>
    %dma_start3A_23 = arith.constant 0 : i32
    %dma_start3A_24 = tpu.memref_slice %arg3[%add3A_16, %dma_start3A_23] : memref<4096x512xf32, #tpu.memory_space<hbm>> -> memref<16x512xf32, #tpu.memory_space<hbm>>
    tpu.enqueue_dma source(%dma_start3A_24 : memref<16x512xf32, #tpu.memory_space<hbm>>) target(%arg8 : memref<16x512xf32, #tpu.memory_space<vmem>>) target_semaphore(%arg11 : memref<!tpu.dma_semaphore, #tpu.memory_space<semaphore_mem>>)
    %dma_wait3A = arith.constant 0 : i32
    %dma_wait3A_25 = tpu.memref_slice %arg2[%add3A_7, %dma_wait3A] : memref<4096x512xf32, #tpu.memory_space<hbm>> -> memref<16x512xf32, #tpu.memory_space<hbm>>
    %dma_wait3A_26 = arith.constant 0 : i32
    %dma_wait3A_27 = tpu.memref_slice %arg2[%add3A_7, %dma_wait3A_26] : memref<4096x512xf32, #tpu.memory_space<hbm>> -> memref<16x512xf32, #tpu.memory_space<hbm>>
    tpu.wait_dma2 semaphore(%arg10 : memref<!tpu.dma_semaphore, #tpu.memory_space<semaphore_mem>>) src(%dma_wait3A_27 : memref<16x512xf32, #tpu.memory_space<hbm>>) dst(%arg5 : memref<16x512xf32, #tpu.memory_space<vmem>>)
    %dma_wait3A_28 = arith.constant 0 : i32
    %dma_wait3A_29 = tpu.memref_slice %arg3[%add3A_7, %dma_wait3A_28] : memref<4096x512xf32, #tpu.memory_space<hbm>> -> memref<16x512xf32, #tpu.memory_space<hbm>>
    %dma_wait3A_30 = arith.constant 0 : i32
    %dma_wait3A_31 = tpu.memref_slice %arg3[%add3A_7, %dma_wait3A_30] : memref<4096x512xf32, #tpu.memory_space<hbm>> -> memref<16x512xf32, #tpu.memory_space<hbm>>
    tpu.wait_dma2 semaphore(%arg10 : memref<!tpu.dma_semaphore, #tpu.memory_space<semaphore_mem>>) src(%dma_wait3A_31 : memref<16x512xf32, #tpu.memory_space<hbm>>) dst(%arg6 : memref<16x512xf32, #tpu.memory_space<vmem>>)
    %scan3A = arith.constant 0 : i32
    %scan3A_32 = arith.constant 64 : i32
    %scan3A_33 = arith.addi %scan3A, %scan3A_32 : i32
    %scan3A_34 = arith.constant 1 : i32
    %scan3A_35:3 = scf.for %scan3A_62 = %scan3A to %scan3A_33 step %scan3A_34 iter_args(%scan3A_63 = %broadcast_in_dim3A_5, %scan3A_64 = %broadcast_in_dim3A_5, %scan3A_65 = %broadcast_in_dim3A_5) -> (vector<16xf32>, vector<16xf32>, vector<16xf32>)  : i32 {
      %jit3A = arith.constant 4 : i32
      %div3A = arith.divsi %scan3A_62, %jit3A : i32
      %sign3A = arith.constant 0 : i32
      %sign3A_66 = arith.cmpi sgt, %scan3A_62, %sign3A : i32
      %sign3A_67 = arith.extui %sign3A_66 : i1 to i32
      %sign3A_68 = arith.constant 0 : i32
      %sign3A_69 = arith.cmpi slt, %scan3A_62, %sign3A_68 : i32
      %sign3A_70 = arith.extui %sign3A_69 : i1 to i32
      %sign3A_71 = arith.subi %sign3A_67, %sign3A_70 : i32
      %sign3A_72 = arith.constant 0 : i32
      %sign3A_73 = arith.cmpi sgt, %jit3A, %sign3A_72 : i32
      %sign3A_74 = arith.extui %sign3A_73 : i1 to i32
      %sign3A_75 = arith.constant 0 : i32
      %sign3A_76 = arith.cmpi slt, %jit3A, %sign3A_75 : i32
      %sign3A_77 = arith.extui %sign3A_76 : i1 to i32
      %sign3A_78 = arith.subi %sign3A_74, %sign3A_77 : i32
      %ne3A = arith.cmpi ne, %sign3A_71, %sign3A_78 : i32
      %rem3A = arith.remsi %scan3A_62, %jit3A : i32
      %ne3A_79 = arith.constant 0 : i32
      %ne3A_80 = arith.cmpi ne, %rem3A, %ne3A_79 : i32
      %and3A = arith.andi %ne3A, %ne3A_80 : i1
      %sub3A = arith.constant 1 : i32
      %sub3A_81 = arith.subi %div3A, %sub3A : i32
      %select_n3A = arith.select %and3A, %sub3A_81, %div3A : i32
      %jit3A_82 = arith.constant 4 : i32
      %eq3A = arith.constant 0 : i32
      %eq3A_83 = arith.cmpi eq, %jit3A_82, %eq3A : i32
      %jit3A_84 = arith.constant 1 : i32
      %select_n3A_85 = arith.select %eq3A_83, %jit3A_84, %jit3A_82 : i32
      %rem3A_86 = arith.remsi %scan3A_62, %select_n3A_85 : i32
      %ne3A_87 = arith.constant 0 : i32
      %ne3A_88 = arith.cmpi ne, %rem3A_86, %ne3A_87 : i32
      %lt3A = arith.constant 0 : i32
      %lt3A_89 = arith.cmpi slt, %rem3A_86, %lt3A : i32
      %lt3A_90 = arith.constant 0 : i32
      %lt3A_91 = arith.cmpi slt, %select_n3A_85, %lt3A_90 : i32
      %ne3A_92 = arith.xori %lt3A_89, %lt3A_91 : i1
      %and3A_93 = arith.andi %ne3A_92, %ne3A_88 : i1
      %add3A_94 = arith.addi %rem3A_86, %select_n3A_85 : i32
      %select_n3A_95 = arith.select %and3A_93, %add3A_94, %rem3A_86 : i32
      %mul3A_96 = arith.constant 128 : i32
      %mul3A_97 = arith.muli %select_n3A_95, %mul3A_96 : i32
      %add3A_98 = arith.constant 0 : i32
      %add3A_99 = arith.addi %mul3A_97, %add3A_98 : i32
      %get3A = arith.index_cast %select_n3A : i32 to index
      %get3A_100 = arith.index_cast %add3A_99 : i32 to index
      %get3A_101 = tpu.vector_load %arg5[%get3A, %get3A_100] {strides = array<i32>} : memref<16x512xf32, #tpu.memory_space<vmem>>, vector<1x16xf32>,
      %get3A_102 = vector.shape_cast %get3A_101 : vector<1x16xf32> to vector<16xf32>
      %add3A_103 = arith.constant 0 : i32
      %add3A_104 = arith.addi %mul3A_97, %add3A_103 : i32
      %get3A_105 = arith.index_cast %select_n3A : i32 to index
      %get3A_106 = arith.index_cast %add3A_104 : i32 to index
      %get3A_107 = tpu.vector_load %arg6[%get3A_105, %get3A_106] {strides = array<i32>} : memref<16x512xf32, #tpu.memory_space<vmem>>, vector<1x16xf32>,
      %get3A_108 = vector.shape_cast %get3A_107 : vector<1x16xf32> to vector<16xf32>
      %mul3A_109 = arith.mulf %get3A_102, %get3A_108 : vector<16xf32>
      %neg3A = arith.constant 0.000000e+00 : f32
      %neg3A_110 = vector.broadcast %neg3A : f32 to vector<16xf32>
      %neg3A_111 = arith.subf %neg3A_110, %get3A_102 : vector<16xf32>
      %min3A = arith.minimumf %get3A_102, %neg3A_111 : vector<16xf32>
      %exp3A = math.exp %min3A : vector<16xf32>
      %mul3A_112 = arith.constant -0.0554593131 : f32
      %mul3A_113 = vector.broadcast %mul3A_112 : f32 to vector<16xf32>
      %mul3A_114 = arith.mulf %mul3A_113, %exp3A : vector<16xf32>
      %add3A_115 = arith.constant 0.218665481 : f32
      %add3A_116 = vector.broadcast %add3A_115 : f32 to vector<16xf32>
      %add3A_117 = arith.addf %mul3A_114, %add3A_116 : vector<16xf32>
      %mul3A_118 = arith.mulf %add3A_117, %exp3A : vector<16xf32>
      %add3A_119 = arith.constant -0.466442436 : f32
      %add3A_120 = vector.broadcast %add3A_119 : f32 to vector<16xf32>
      %add3A_121 = arith.addf %mul3A_118, %add3A_120 : vector<16xf32>
      %mul3A_122 = arith.mulf %add3A_121, %exp3A : vector<16xf32>
      %add3A_123 = arith.constant 0.996261954 : f32
      %add3A_124 = vector.broadcast %add3A_123 : f32 to vector<16xf32>
      %add3A_125 = arith.addf %mul3A_122, %add3A_124 : vector<16xf32>
      %mul3A_126 = arith.mulf %add3A_125, %exp3A : vector<16xf32>
      %add3A_127 = arith.constant 6.94457412E-5 : f32
      %add3A_128 = vector.broadcast %add3A_127 : f32 to vector<16xf32>
      %add3A_129 = arith.addf %mul3A_126, %add3A_128 : vector<16xf32>
      %max3A = arith.constant 0.000000e+00 : f32
      %max3A_130 = vector.broadcast %max3A : f32 to vector<16xf32>
      %max3A_131 = arith.maximumf %get3A_102, %max3A_130 : vector<16xf32>
      %sub3A_132 = arith.subf %max3A_131, %mul3A_109 : vector<16xf32>
      %add3A_133 = arith.addf %sub3A_132, %add3A_129 : vector<16xf32>
      %add3A_134 = arith.addf %scan3A_63, %add3A_133 : vector<16xf32>
      %mul3A_135 = arith.mulf %add3A_133, %get3A_108 : vector<16xf32>
      %add3A_136 = arith.addf %scan3A_64, %mul3A_135 : vector<16xf32>
      %add3A_137 = arith.addf %scan3A_65, %get3A_108 : vector<16xf32>
      %add3A_138 = arith.constant 16 : i32
      %add3A_139 = arith.addi %mul3A_97, %add3A_138 : i32
      %get3A_140 = arith.index_cast %select_n3A : i32 to index
      %get3A_141 = arith.index_cast %add3A_139 : i32 to index
      %get3A_142 = tpu.vector_load %arg5[%get3A_140, %get3A_141] {strides = array<i32>} : memref<16x512xf32, #tpu.memory_space<vmem>>, vector<1x16xf32>,
      %get3A_143 = vector.shape_cast %get3A_142 : vector<1x16xf32> to vector<16xf32>
      %add3A_144 = arith.constant 16 : i32
      %add3A_145 = arith.addi %mul3A_97, %add3A_144 : i32
      %get3A_146 = arith.index_cast %select_n3A : i32 to index
      %get3A_147 = arith.index_cast %add3A_145 : i32 to index
      %get3A_148 = tpu.vector_load %arg6[%get3A_146, %get3A_147] {strides = array<i32>} : memref<16x512xf32, #tpu.memory_space<vmem>>, vector<1x16xf32>,
      %get3A_149 = vector.shape_cast %get3A_148 : vector<1x16xf32> to vector<16xf32>
      %mul3A_150 = arith.mulf %get3A_143, %get3A_149 : vector<16xf32>
      %neg3A_151 = arith.constant 0.000000e+00 : f32
      %neg3A_152 = vector.broadcast %neg3A_151 : f32 to vector<16xf32>
      %neg3A_153 = arith.subf %neg3A_152, %get3A_143 : vector<16xf32>
      %min3A_154 = arith.minimumf %get3A_143, %neg3A_153 : vector<16xf32>
      %exp3A_155 = math.exp %min3A_154 : vector<16xf32>
      %mul3A_156 = arith.constant -0.0554593131 : f32
      %mul3A_157 = vector.broadcast %mul3A_156 : f32 to vector<16xf32>
      %mul3A_158 = arith.mulf %mul3A_157, %exp3A_155 : vector<16xf32>
      %add3A_159 = arith.constant 0.218665481 : f32
      %add3A_160 = vector.broadcast %add3A_159 : f32 to vector<16xf32>
      %add3A_161 = arith.addf %mul3A_158, %add3A_160 : vector<16xf32>
      %mul3A_162 = arith.mulf %add3A_161, %exp3A_155 : vector<16xf32>
      %add3A_163 = arith.constant -0.466442436 : f32
      %add3A_164 = vector.broadcast %add3A_163 : f32 to vector<16xf32>
      %add3A_165 = arith.addf %mul3A_162, %add3A_164 : vector<16xf32>
      %mul3A_166 = arith.mulf %add3A_165, %exp3A_155 : vector<16xf32>
      %add3A_167 = arith.constant 0.996261954 : f32
      %add3A_168 = vector.broadcast %add3A_167 : f32 to vector<16xf32>
      %add3A_169 = arith.addf %mul3A_166, %add3A_168 : vector<16xf32>
      %mul3A_170 = arith.mulf %add3A_169, %exp3A_155 : vector<16xf32>
      %add3A_171 = arith.constant 6.94457412E-5 : f32
      %add3A_172 = vector.broadcast %add3A_171 : f32 to vector<16xf32>
      %add3A_173 = arith.addf %mul3A_170, %add3A_172 : vector<16xf32>
      %max3A_174 = arith.constant 0.000000e+00 : f32
      %max3A_175 = vector.broadcast %max3A_174 : f32 to vector<16xf32>
      %max3A_176 = arith.maximumf %get3A_143, %max3A_175 : vector<16xf32>
      %sub3A_177 = arith.subf %max3A_176, %mul3A_150 : vector<16xf32>
      %add3A_178 = arith.addf %sub3A_177, %add3A_173 : vector<16xf32>
      %add3A_179 = arith.addf %add3A_134, %add3A_178 : vector<16xf32>
      %mul3A_180 = arith.mulf %add3A_178, %get3A_149 : vector<16xf32>
      %add3A_181 = arith.addf %add3A_136, %mul3A_180 : vector<16xf32>
      %add3A_182 = arith.addf %add3A_137, %get3A_149 : vector<16xf32>
      %add3A_183 = arith.constant 32 : i32
      %add3A_184 = arith.addi %mul3A_97, %add3A_183 : i32
      %get3A_185 = arith.index_cast %select_n3A : i32 to index
      %get3A_186 = arith.index_cast %add3A_184 : i32 to index
      %get3A_187 = tpu.vector_load %arg5[%get3A_185, %get3A_186] {strides = array<i32>} : memref<16x512xf32, #tpu.memory_space<vmem>>, vector<1x16xf32>,
      %get3A_188 = vector.shape_cast %get3A_187 : vector<1x16xf32> to vector<16xf32>
      %add3A_189 = arith.constant 32 : i32
      %add3A_190 = arith.addi %mul3A_97, %add3A_189 : i32
      %get3A_191 = arith.index_cast %select_n3A : i32 to index
      %get3A_192 = arith.index_cast %add3A_190 : i32 to index
      %get3A_193 = tpu.vector_load %arg6[%get3A_191, %get3A_192] {strides = array<i32>} : memref<16x512xf32, #tpu.memory_space<vmem>>, vector<1x16xf32>,
      %get3A_194 = vector.shape_cast %get3A_193 : vector<1x16xf32> to vector<16xf32>
      %mul3A_195 = arith.mulf %get3A_188, %get3A_194 : vector<16xf32>
      %neg3A_196 = arith.constant 0.000000e+00 : f32
      %neg3A_197 = vector.broadcast %neg3A_196 : f32 to vector<16xf32>
      %neg3A_198 = arith.subf %neg3A_197, %get3A_188 : vector<16xf32>
      %min3A_199 = arith.minimumf %get3A_188, %neg3A_198 : vector<16xf32>
      %exp3A_200 = math.exp %min3A_199 : vector<16xf32>
      %mul3A_201 = arith.constant -0.0554593131 : f32
      %mul3A_202 = vector.broadcast %mul3A_201 : f32 to vector<16xf32>
      %mul3A_203 = arith.mulf %mul3A_202, %exp3A_200 : vector<16xf32>
      %add3A_204 = arith.constant 0.218665481 : f32
      %add3A_205 = vector.broadcast %add3A_204 : f32 to vector<16xf32>
      %add3A_206 = arith.addf %mul3A_203, %add3A_205 : vector<16xf32>
      %mul3A_207 = arith.mulf %add3A_206, %exp3A_200 : vector<16xf32>
      %add3A_208 = arith.constant -0.466442436 : f32
      %add3A_209 = vector.broadcast %add3A_208 : f32 to vector<16xf32>
      %add3A_210 = arith.addf %mul3A_207, %add3A_209 : vector<16xf32>
      %mul3A_211 = arith.mulf %add3A_210, %exp3A_200 : vector<16xf32>
      %add3A_212 = arith.constant 0.996261954 : f32
      %add3A_213 = vector.broadcast %add3A_212 : f32 to vector<16xf32>
      %add3A_214 = arith.addf %mul3A_211, %add3A_213 : vector<16xf32>
      %mul3A_215 = arith.mulf %add3A_214, %exp3A_200 : vector<16xf32>
      %add3A_216 = arith.constant 6.94457412E-5 : f32
      %add3A_217 = vector.broadcast %add3A_216 : f32 to vector<16xf32>
      %add3A_218 = arith.addf %mul3A_215, %add3A_217 : vector<16xf32>
      %max3A_219 = arith.constant 0.000000e+00 : f32
      %max3A_220 = vector.broadcast %max3A_219 : f32 to vector<16xf32>
      %max3A_221 = arith.maximumf %get3A_188, %max3A_220 : vector<16xf32>
      %sub3A_222 = arith.subf %max3A_221, %mul3A_195 : vector<16xf32>
      %add3A_223 = arith.addf %sub3A_222, %add3A_218 : vector<16xf32>
      %add3A_224 = arith.addf %add3A_179, %add3A_223 : vector<16xf32>
      %mul3A_225 = arith.mulf %add3A_223, %get3A_194 : vector<16xf32>
      %add3A_226 = arith.addf %add3A_181, %mul3A_225 : vector<16xf32>
      %add3A_227 = arith.addf %add3A_182, %get3A_194 : vector<16xf32>
      %add3A_228 = arith.constant 48 : i32
      %add3A_229 = arith.addi %mul3A_97, %add3A_228 : i32
      %get3A_230 = arith.index_cast %select_n3A : i32 to index
      %get3A_231 = arith.index_cast %add3A_229 : i32 to index
      %get3A_232 = tpu.vector_load %arg5[%get3A_230, %get3A_231] {strides = array<i32>} : memref<16x512xf32, #tpu.memory_space<vmem>>, vector<1x16xf32>,
      %get3A_233 = vector.shape_cast %get3A_232 : vector<1x16xf32> to vector<16xf32>
      %add3A_234 = arith.constant 48 : i32
      %add3A_235 = arith.addi %mul3A_97, %add3A_234 : i32
      %get3A_236 = arith.index_cast %select_n3A : i32 to index
      %get3A_237 = arith.index_cast %add3A_235 : i32 to index
      %get3A_238 = tpu.vector_load %arg6[%get3A_236, %get3A_237] {strides = array<i32>} : memref<16x512xf32, #tpu.memory_space<vmem>>, vector<1x16xf32>,
      %get3A_239 = vector.shape_cast %get3A_238 : vector<1x16xf32> to vector<16xf32>
      %mul3A_240 = arith.mulf %get3A_233, %get3A_239 : vector<16xf32>
      %neg3A_241 = arith.constant 0.000000e+00 : f32
      %neg3A_242 = vector.broadcast %neg3A_241 : f32 to vector<16xf32>
      %neg3A_243 = arith.subf %neg3A_242, %get3A_233 : vector<16xf32>
      %min3A_244 = arith.minimumf %get3A_233, %neg3A_243 : vector<16xf32>
      %exp3A_245 = math.exp %min3A_244 : vector<16xf32>
      %mul3A_246 = arith.constant -0.0554593131 : f32
      %mul3A_247 = vector.broadcast %mul3A_246 : f32 to vector<16xf32>
      %mul3A_248 = arith.mulf %mul3A_247, %exp3A_245 : vector<16xf32>
      %add3A_249 = arith.constant 0.218665481 : f32
      %add3A_250 = vector.broadcast %add3A_249 : f32 to vector<16xf32>
      %add3A_251 = arith.addf %mul3A_248, %add3A_250 : vector<16xf32>
      %mul3A_252 = arith.mulf %add3A_251, %exp3A_245 : vector<16xf32>
      %add3A_253 = arith.constant -0.466442436 : f32
      %add3A_254 = vector.broadcast %add3A_253 : f32 to vector<16xf32>
      %add3A_255 = arith.addf %mul3A_252, %add3A_254 : vector<16xf32>
      %mul3A_256 = arith.mulf %add3A_255, %exp3A_245 : vector<16xf32>
      %add3A_257 = arith.constant 0.996261954 : f32
      %add3A_258 = vector.broadcast %add3A_257 : f32 to vector<16xf32>
      %add3A_259 = arith.addf %mul3A_256, %add3A_258 : vector<16xf32>
      %mul3A_260 = arith.mulf %add3A_259, %exp3A_245 : vector<16xf32>
      %add3A_261 = arith.constant 6.94457412E-5 : f32
      %add3A_262 = vector.broadcast %add3A_261 : f32 to vector<16xf32>
      %add3A_263 = arith.addf %mul3A_260, %add3A_262 : vector<16xf32>
      %max3A_264 = arith.constant 0.000000e+00 : f32
      %max3A_265 = vector.broadcast %max3A_264 : f32 to vector<16xf32>
      %max3A_266 = arith.maximumf %get3A_233, %max3A_265 : vector<16xf32>
      %sub3A_267 = arith.subf %max3A_266, %mul3A_240 : vector<16xf32>
      %add3A_268 = arith.addf %sub3A_267, %add3A_263 : vector<16xf32>
      %add3A_269 = arith.addf %add3A_224, %add3A_268 : vector<16xf32>
      %mul3A_270 = arith.mulf %add3A_268, %get3A_239 : vector<16xf32>
      %add3A_271 = arith.addf %add3A_226, %mul3A_270 : vector<16xf32>
      %add3A_272 = arith.addf %add3A_227, %get3A_239 : vector<16xf32>
      %add3A_273 = arith.constant 64 : i32
      %add3A_274 = arith.addi %mul3A_97, %add3A_273 : i32
      %get3A_275 = arith.index_cast %select_n3A : i32 to index
      %get3A_276 = arith.index_cast %add3A_274 : i32 to index
      %get3A_277 = tpu.vector_load %arg5[%get3A_275, %get3A_276] {strides = array<i32>} : memref<16x512xf32, #tpu.memory_space<vmem>>, vector<1x16xf32>,
      %get3A_278 = vector.shape_cast %get3A_277 : vector<1x16xf32> to vector<16xf32>
      %add3A_279 = arith.constant 64 : i32
      %add3A_280 = arith.addi %mul3A_97, %add3A_279 : i32
      %get3A_281 = arith.index_cast %select_n3A : i32 to index
      %get3A_282 = arith.index_cast %add3A_280 : i32 to index
      %get3A_283 = tpu.vector_load %arg6[%get3A_281, %get3A_282] {strides = array<i32>} : memref<16x512xf32, #tpu.memory_space<vmem>>, vector<1x16xf32>,
      %get3A_284 = vector.shape_cast %get3A_283 : vector<1x16xf32> to vector<16xf32>
      %mul3A_285 = arith.mulf %get3A_278, %get3A_284 : vector<16xf32>
      %neg3A_286 = arith.constant 0.000000e+00 : f32
      %neg3A_287 = vector.broadcast %neg3A_286 : f32 to vector<16xf32>
      %neg3A_288 = arith.subf %neg3A_287, %get3A_278 : vector<16xf32>
      %min3A_289 = arith.minimumf %get3A_278, %neg3A_288 : vector<16xf32>
      %exp3A_290 = math.exp %min3A_289 : vector<16xf32>
      %mul3A_291 = arith.constant -0.0554593131 : f32
      %mul3A_292 = vector.broadcast %mul3A_291 : f32 to vector<16xf32>
      %mul3A_293 = arith.mulf %mul3A_292, %exp3A_290 : vector<16xf32>
      %add3A_294 = arith.constant 0.218665481 : f32
      %add3A_295 = vector.broadcast %add3A_294 : f32 to vector<16xf32>
      %add3A_296 = arith.addf %mul3A_293, %add3A_295 : vector<16xf32>
      %mul3A_297 = arith.mulf %add3A_296, %exp3A_290 : vector<16xf32>
      %add3A_298 = arith.constant -0.466442436 : f32
      %add3A_299 = vector.broadcast %add3A_298 : f32 to vector<16xf32>
      %add3A_300 = arith.addf %mul3A_297, %add3A_299 : vector<16xf32>
      %mul3A_301 = arith.mulf %add3A_300, %exp3A_290 : vector<16xf32>
      %add3A_302 = arith.constant 0.996261954 : f32
      %add3A_303 = vector.broadcast %add3A_302 : f32 to vector<16xf32>
      %add3A_304 = arith.addf %mul3A_301, %add3A_303 : vector<16xf32>
      %mul3A_305 = arith.mulf %add3A_304, %exp3A_290 : vector<16xf32>
      %add3A_306 = arith.constant 6.94457412E-5 : f32
      %add3A_307 = vector.broadcast %add3A_306 : f32 to vector<16xf32>
      %add3A_308 = arith.addf %mul3A_305, %add3A_307 : vector<16xf32>
      %max3A_309 = arith.constant 0.000000e+00 : f32
      %max3A_310 = vector.broadcast %max3A_309 : f32 to vector<16xf32>
      %max3A_311 = arith.maximumf %get3A_278, %max3A_310 : vector<16xf32>
      %sub3A_312 = arith.subf %max3A_311, %mul3A_285 : vector<16xf32>
      %add3A_313 = arith.addf %sub3A_312, %add3A_308 : vector<16xf32>
      %add3A_314 = arith.addf %add3A_269, %add3A_313 : vector<16xf32>
      %mul3A_315 = arith.mulf %add3A_313, %get3A_284 : vector<16xf32>
      %add3A_316 = arith.addf %add3A_271, %mul3A_315 : vector<16xf32>
      %add3A_317 = arith.addf %add3A_272, %get3A_284 : vector<16xf32>
      %add3A_318 = arith.constant 80 : i32
      %add3A_319 = arith.addi %mul3A_97, %add3A_318 : i32
      %get3A_320 = arith.index_cast %select_n3A : i32 to index
      %get3A_321 = arith.index_cast %add3A_319 : i32 to index
      %get3A_322 = tpu.vector_load %arg5[%get3A_320, %get3A_321] {strides = array<i32>} : memref<16x512xf32, #tpu.memory_space<vmem>>, vector<1x16xf32>,
      %get3A_323 = vector.shape_cast %get3A_322 : vector<1x16xf32> to vector<16xf32>
      %add3A_324 = arith.constant 80 : i32
      %add3A_325 = arith.addi %mul3A_97, %add3A_324 : i32
      %get3A_326 = arith.index_cast %select_n3A : i32 to index
      %get3A_327 = arith.index_cast %add3A_325 : i32 to index
      %get3A_328 = tpu.vector_load %arg6[%get3A_326, %get3A_327] {strides = array<i32>} : memref<16x512xf32, #tpu.memory_space<vmem>>, vector<1x16xf32>,
      %get3A_329 = vector.shape_cast %get3A_328 : vector<1x16xf32> to vector<16xf32>
      %mul3A_330 = arith.mulf %get3A_323, %get3A_329 : vector<16xf32>
      %neg3A_331 = arith.constant 0.000000e+00 : f32
      %neg3A_332 = vector.broadcast %neg3A_331 : f32 to vector<16xf32>
      %neg3A_333 = arith.subf %neg3A_332, %get3A_323 : vector<16xf32>
      %min3A_334 = arith.minimumf %get3A_323, %neg3A_333 : vector<16xf32>
      %exp3A_335 = math.exp %min3A_334 : vector<16xf32>
      %mul3A_336 = arith.constant -0.0554593131 : f32
      %mul3A_337 = vector.broadcast %mul3A_336 : f32 to vector<16xf32>
      %mul3A_338 = arith.mulf %mul3A_337, %exp3A_335 : vector<16xf32>
      %add3A_339 = arith.constant 0.218665481 : f32
      %add3A_340 = vector.broadcast %add3A_339 : f32 to vector<16xf32>
      %add3A_341 = arith.addf %mul3A_338, %add3A_340 : vector<16xf32>
      %mul3A_342 = arith.mulf %add3A_341, %exp3A_335 : vector<16xf32>
      %add3A_343 = arith.constant -0.466442436 : f32
      %add3A_344 = vector.broadcast %add3A_343 : f32 to vector<16xf32>
      %add3A_345 = arith.addf %mul3A_342, %add3A_344 : vector<16xf32>
      %mul3A_346 = arith.mulf %add3A_345, %exp3A_335 : vector<16xf32>
      %add3A_347 = arith.constant 0.996261954 : f32
      %add3A_348 = vector.broadcast %add3A_347 : f32 to vector<16xf32>
      %add3A_349 = arith.addf %mul3A_346, %add3A_348 : vector<16xf32>
      %mul3A_350 = arith.mulf %add3A_349, %exp3A_335 : vector<16xf32>
      %add3A_351 = arith.constant 6.94457412E-5 : f32
      %add3A_352 = vector.broadcast %add3A_351 : f32 to vector<16xf32>
      %add3A_353 = arith.addf %mul3A_350, %add3A_352 : vector<16xf32>
      %max3A_354 = arith.constant 0.000000e+00 : f32
      %max3A_355 = vector.broadcast %max3A_354 : f32 to vector<16xf32>
      %max3A_356 = arith.maximumf %get3A_323, %max3A_355 : vector<16xf32>
      %sub3A_357 = arith.subf %max3A_356, %mul3A_330 : vector<16xf32>
      %add3A_358 = arith.addf %sub3A_357, %add3A_353 : vector<16xf32>
      %add3A_359 = arith.addf %add3A_314, %add3A_358 : vector<16xf32>
      %mul3A_360 = arith.mulf %add3A_358, %get3A_329 : vector<16xf32>
      %add3A_361 = arith.addf %add3A_316, %mul3A_360 : vector<16xf32>
      %add3A_362 = arith.addf %add3A_317, %get3A_329 : vector<16xf32>
      %add3A_363 = arith.constant 96 : i32
      %add3A_364 = arith.addi %mul3A_97, %add3A_363 : i32
      %get3A_365 = arith.index_cast %select_n3A : i32 to index
      %get3A_366 = arith.index_cast %add3A_364 : i32 to index
      %get3A_367 = tpu.vector_load %arg5[%get3A_365, %get3A_366] {strides = array<i32>} : memref<16x512xf32, #tpu.memory_space<vmem>>, vector<1x16xf32>,
      %get3A_368 = vector.shape_cast %get3A_367 : vector<1x16xf32> to vector<16xf32>
      %add3A_369 = arith.constant 96 : i32
      %add3A_370 = arith.addi %mul3A_97, %add3A_369 : i32
      %get3A_371 = arith.index_cast %select_n3A : i32 to index
      %get3A_372 = arith.index_cast %add3A_370 : i32 to index
      %get3A_373 = tpu.vector_load %arg6[%get3A_371, %get3A_372] {strides = array<i32>} : memref<16x512xf32, #tpu.memory_space<vmem>>, vector<1x16xf32>,
      %get3A_374 = vector.shape_cast %get3A_373 : vector<1x16xf32> to vector<16xf32>
      %mul3A_375 = arith.mulf %get3A_368, %get3A_374 : vector<16xf32>
      %neg3A_376 = arith.constant 0.000000e+00 : f32
      %neg3A_377 = vector.broadcast %neg3A_376 : f32 to vector<16xf32>
      %neg3A_378 = arith.subf %neg3A_377, %get3A_368 : vector<16xf32>
      %min3A_379 = arith.minimumf %get3A_368, %neg3A_378 : vector<16xf32>
      %exp3A_380 = math.exp %min3A_379 : vector<16xf32>
      %mul3A_381 = arith.constant -0.0554593131 : f32
      %mul3A_382 = vector.broadcast %mul3A_381 : f32 to vector<16xf32>
      %mul3A_383 = arith.mulf %mul3A_382, %exp3A_380 : vector<16xf32>
      %add3A_384 = arith.constant 0.218665481 : f32
      %add3A_385 = vector.broadcast %add3A_384 : f32 to vector<16xf32>
      %add3A_386 = arith.addf %mul3A_383, %add3A_385 : vector<16xf32>
      %mul3A_387 = arith.mulf %add3A_386, %exp3A_380 : vector<16xf32>
      %add3A_388 = arith.constant -0.466442436 : f32
      %add3A_389 = vector.broadcast %add3A_388 : f32 to vector<16xf32>
      %add3A_390 = arith.addf %mul3A_387, %add3A_389 : vector<16xf32>
      %mul3A_391 = arith.mulf %add3A_390, %exp3A_380 : vector<16xf32>
      %add3A_392 = arith.constant 0.996261954 : f32
      %add3A_393 = vector.broadcast %add3A_392 : f32 to vector<16xf32>
      %add3A_394 = arith.addf %mul3A_391, %add3A_393 : vector<16xf32>
      %mul3A_395 = arith.mulf %add3A_394, %exp3A_380 : vector<16xf32>
      %add3A_396 = arith.constant 6.94457412E-5 : f32
      %add3A_397 = vector.broadcast %add3A_396 : f32 to vector<16xf32>
      %add3A_398 = arith.addf %mul3A_395, %add3A_397 : vector<16xf32>
      %max3A_399 = arith.constant 0.000000e+00 : f32
      %max3A_400 = vector.broadcast %max3A_399 : f32 to vector<16xf32>
      %max3A_401 = arith.maximumf %get3A_368, %max3A_400 : vector<16xf32>
      %sub3A_402 = arith.subf %max3A_401, %mul3A_375 : vector<16xf32>
      %add3A_403 = arith.addf %sub3A_402, %add3A_398 : vector<16xf32>
      %add3A_404 = arith.addf %add3A_359, %add3A_403 : vector<16xf32>
      %mul3A_405 = arith.mulf %add3A_403, %get3A_374 : vector<16xf32>
      %add3A_406 = arith.addf %add3A_361, %mul3A_405 : vector<16xf32>
      %add3A_407 = arith.addf %add3A_362, %get3A_374 : vector<16xf32>
      %add3A_408 = arith.constant 112 : i32
      %add3A_409 = arith.addi %mul3A_97, %add3A_408 : i32
      %get3A_410 = arith.index_cast %select_n3A : i32 to index
      %get3A_411 = arith.index_cast %add3A_409 : i32 to index
      %get3A_412 = tpu.vector_load %arg5[%get3A_410, %get3A_411] {strides = array<i32>} : memref<16x512xf32, #tpu.memory_space<vmem>>, vector<1x16xf32>,
      %get3A_413 = vector.shape_cast %get3A_412 : vector<1x16xf32> to vector<16xf32>
      %add3A_414 = arith.constant 112 : i32
      %add3A_415 = arith.addi %mul3A_97, %add3A_414 : i32
      %get3A_416 = arith.index_cast %select_n3A : i32 to index
      %get3A_417 = arith.index_cast %add3A_415 : i32 to index
      %get3A_418 = tpu.vector_load %arg6[%get3A_416, %get3A_417] {strides = array<i32>} : memref<16x512xf32, #tpu.memory_space<vmem>>, vector<1x16xf32>,
      %get3A_419 = vector.shape_cast %get3A_418 : vector<1x16xf32> to vector<16xf32>
      %mul3A_420 = arith.mulf %get3A_413, %get3A_419 : vector<16xf32>
      %neg3A_421 = arith.constant 0.000000e+00 : f32
      %neg3A_422 = vector.broadcast %neg3A_421 : f32 to vector<16xf32>
      %neg3A_423 = arith.subf %neg3A_422, %get3A_413 : vector<16xf32>
      %min3A_424 = arith.minimumf %get3A_413, %neg3A_423 : vector<16xf32>
      %exp3A_425 = math.exp %min3A_424 : vector<16xf32>
      %mul3A_426 = arith.constant -0.0554593131 : f32
      %mul3A_427 = vector.broadcast %mul3A_426 : f32 to vector<16xf32>
      %mul3A_428 = arith.mulf %mul3A_427, %exp3A_425 : vector<16xf32>
      %add3A_429 = arith.constant 0.218665481 : f32
      %add3A_430 = vector.broadcast %add3A_429 : f32 to vector<16xf32>
      %add3A_431 = arith.addf %mul3A_428, %add3A_430 : vector<16xf32>
      %mul3A_432 = arith.mulf %add3A_431, %exp3A_425 : vector<16xf32>
      %add3A_433 = arith.constant -0.466442436 : f32
      %add3A_434 = vector.broadcast %add3A_433 : f32 to vector<16xf32>
      %add3A_435 = arith.addf %mul3A_432, %add3A_434 : vector<16xf32>
      %mul3A_436 = arith.mulf %add3A_435, %exp3A_425 : vector<16xf32>
      %add3A_437 = arith.constant 0.996261954 : f32
      %add3A_438 = vector.broadcast %add3A_437 : f32 to vector<16xf32>
      %add3A_439 = arith.addf %mul3A_436, %add3A_438 : vector<16xf32>
      %mul3A_440 = arith.mulf %add3A_439, %exp3A_425 : vector<16xf32>
      %add3A_441 = arith.constant 6.94457412E-5 : f32
      %add3A_442 = vector.broadcast %add3A_441 : f32 to vector<16xf32>
      %add3A_443 = arith.addf %mul3A_440, %add3A_442 : vector<16xf32>
      %max3A_444 = arith.constant 0.000000e+00 : f32
      %max3A_445 = vector.broadcast %max3A_444 : f32 to vector<16xf32>
      %max3A_446 = arith.maximumf %get3A_413, %max3A_445 : vector<16xf32>
      %sub3A_447 = arith.subf %max3A_446, %mul3A_420 : vector<16xf32>
      %add3A_448 = arith.addf %sub3A_447, %add3A_443 : vector<16xf32>
      %add3A_449 = arith.addf %add3A_404, %add3A_448 : vector<16xf32>
      %mul3A_450 = arith.mulf %add3A_448, %get3A_419 : vector<16xf32>
      %add3A_451 = arith.addf %add3A_406, %mul3A_450 : vector<16xf32>
      %add3A_452 = arith.addf %add3A_407, %get3A_419 : vector<16xf32>
      scf.yield %add3A_449, %add3A_451, %add3A_452 : vector<16xf32>, vector<16xf32>, vector<16xf32>
    }
    %scan3A_36 = arith.constant 64 : i32
    %dma_wait3A_37 = arith.constant 0 : i32
    %dma_wait3A_38 = tpu.memref_slice %arg2[%add3A_16, %dma_wait3A_37] : memref<4096x512xf32, #tpu.memory_space<hbm>> -> memref<16x512xf32, #tpu.memory_space<hbm>>
    %dma_wait3A_39 = arith.constant 0 : i32
    %dma_wait3A_40 = tpu.memref_slice %arg2[%add3A_16, %dma_wait3A_39] : memref<4096x512xf32, #tpu.memory_space<hbm>> -> memref<16x512xf32, #tpu.memory_space<hbm>>
    tpu.wait_dma2 semaphore(%arg11 : memref<!tpu.dma_semaphore, #tpu.memory_space<semaphore_mem>>) src(%dma_wait3A_40 : memref<16x512xf32, #tpu.memory_space<hbm>>) dst(%arg7 : memref<16x512xf32, #tpu.memory_space<vmem>>)
    %dma_wait3A_41 = arith.constant 0 : i32
    %dma_wait3A_42 = tpu.memref_slice %arg3[%add3A_16, %dma_wait3A_41] : memref<4096x512xf32, #tpu.memory_space<hbm>> -> memref<16x512xf32, #tpu.memory_space<hbm>>
    %dma_wait3A_43 = arith.constant 0 : i32
    %dma_wait3A_44 = tpu.memref_slice %arg3[%add3A_16, %dma_wait3A_43] : memref<4096x512xf32, #tpu.memory_space<hbm>> -> memref<16x512xf32, #tpu.memory_space<hbm>>
    tpu.wait_dma2 semaphore(%arg11 : memref<!tpu.dma_semaphore, #tpu.memory_space<semaphore_mem>>) src(%dma_wait3A_44 : memref<16x512xf32, #tpu.memory_space<hbm>>) dst(%arg8 : memref<16x512xf32, #tpu.memory_space<vmem>>)
    %scan3A_45 = arith.constant 0 : i32
    %scan3A_46 = arith.constant 64 : i32
    %scan3A_47 = arith.addi %scan3A_45, %scan3A_46 : i32
    %scan3A_48 = arith.constant 1 : i32
    %scan3A_49:3 = scf.for %scan3A_62 = %scan3A_45 to %scan3A_47 step %scan3A_48 iter_args(%scan3A_63 = %scan3A_35#0, %scan3A_64 = %scan3A_35#1, %scan3A_65 = %scan3A_35#2) -> (vector<16xf32>, vector<16xf32>, vector<16xf32>)  : i32 {
      %jit3A = arith.constant 4 : i32
      %div3A = arith.divsi %scan3A_62, %jit3A : i32
      %sign3A = arith.constant 0 : i32
      %sign3A_66 = arith.cmpi sgt, %scan3A_62, %sign3A : i32
      %sign3A_67 = arith.extui %sign3A_66 : i1 to i32
      %sign3A_68 = arith.constant 0 : i32
      %sign3A_69 = arith.cmpi slt, %scan3A_62, %sign3A_68 : i32
      %sign3A_70 = arith.extui %sign3A_69 : i1 to i32
      %sign3A_71 = arith.subi %sign3A_67, %sign3A_70 : i32
      %sign3A_72 = arith.constant 0 : i32
      %sign3A_73 = arith.cmpi sgt, %jit3A, %sign3A_72 : i32
      %sign3A_74 = arith.extui %sign3A_73 : i1 to i32
      %sign3A_75 = arith.constant 0 : i32
      %sign3A_76 = arith.cmpi slt, %jit3A, %sign3A_75 : i32
      %sign3A_77 = arith.extui %sign3A_76 : i1 to i32
      %sign3A_78 = arith.subi %sign3A_74, %sign3A_77 : i32
      %ne3A = arith.cmpi ne, %sign3A_71, %sign3A_78 : i32
      %rem3A = arith.remsi %scan3A_62, %jit3A : i32
      %ne3A_79 = arith.constant 0 : i32
      %ne3A_80 = arith.cmpi ne, %rem3A, %ne3A_79 : i32
      %and3A = arith.andi %ne3A, %ne3A_80 : i1
      %sub3A = arith.constant 1 : i32
      %sub3A_81 = arith.subi %div3A, %sub3A : i32
      %select_n3A = arith.select %and3A, %sub3A_81, %div3A : i32
      %jit3A_82 = arith.constant 4 : i32
      %eq3A = arith.constant 0 : i32
      %eq3A_83 = arith.cmpi eq, %jit3A_82, %eq3A : i32
      %jit3A_84 = arith.constant 1 : i32
      %select_n3A_85 = arith.select %eq3A_83, %jit3A_84, %jit3A_82 : i32
      %rem3A_86 = arith.remsi %scan3A_62, %select_n3A_85 : i32
      %ne3A_87 = arith.constant 0 : i32
      %ne3A_88 = arith.cmpi ne, %rem3A_86, %ne3A_87 : i32
      %lt3A = arith.constant 0 : i32
      %lt3A_89 = arith.cmpi slt, %rem3A_86, %lt3A : i32
      %lt3A_90 = arith.constant 0 : i32
      %lt3A_91 = arith.cmpi slt, %select_n3A_85, %lt3A_90 : i32
      %ne3A_92 = arith.xori %lt3A_89, %lt3A_91 : i1
      %and3A_93 = arith.andi %ne3A_92, %ne3A_88 : i1
      %add3A_94 = arith.addi %rem3A_86, %select_n3A_85 : i32
      %select_n3A_95 = arith.select %and3A_93, %add3A_94, %rem3A_86 : i32
      %mul3A_96 = arith.constant 128 : i32
      %mul3A_97 = arith.muli %select_n3A_95, %mul3A_96 : i32
      %add3A_98 = arith.constant 0 : i32
      %add3A_99 = arith.addi %mul3A_97, %add3A_98 : i32
      %get3A = arith.index_cast %select_n3A : i32 to index
      %get3A_100 = arith.index_cast %add3A_99 : i32 to index
      %get3A_101 = tpu.vector_load %arg7[%get3A, %get3A_100] {strides = array<i32>} : memref<16x512xf32, #tpu.memory_space<vmem>>, vector<1x16xf32>,
      %get3A_102 = vector.shape_cast %get3A_101 : vector<1x16xf32> to vector<16xf32>
      %add3A_103 = arith.constant 0 : i32
      %add3A_104 = arith.addi %mul3A_97, %add3A_103 : i32
      %get3A_105 = arith.index_cast %select_n3A : i32 to index
      %get3A_106 = arith.index_cast %add3A_104 : i32 to index
      %get3A_107 = tpu.vector_load %arg8[%get3A_105, %get3A_106] {strides = array<i32>} : memref<16x512xf32, #tpu.memory_space<vmem>>, vector<1x16xf32>,
      %get3A_108 = vector.shape_cast %get3A_107 : vector<1x16xf32> to vector<16xf32>
      %mul3A_109 = arith.mulf %get3A_102, %get3A_108 : vector<16xf32>
      %neg3A = arith.constant 0.000000e+00 : f32
      %neg3A_110 = vector.broadcast %neg3A : f32 to vector<16xf32>
      %neg3A_111 = arith.subf %neg3A_110, %get3A_102 : vector<16xf32>
      %min3A = arith.minimumf %get3A_102, %neg3A_111 : vector<16xf32>
      %exp3A = math.exp %min3A : vector<16xf32>
      %mul3A_112 = arith.constant -0.0554593131 : f32
      %mul3A_113 = vector.broadcast %mul3A_112 : f32 to vector<16xf32>
      %mul3A_114 = arith.mulf %mul3A_113, %exp3A : vector<16xf32>
      %add3A_115 = arith.constant 0.218665481 : f32
      %add3A_116 = vector.broadcast %add3A_115 : f32 to vector<16xf32>
      %add3A_117 = arith.addf %mul3A_114, %add3A_116 : vector<16xf32>
      %mul3A_118 = arith.mulf %add3A_117, %exp3A : vector<16xf32>
      %add3A_119 = arith.constant -0.466442436 : f32
      %add3A_120 = vector.broadcast %add3A_119 : f32 to vector<16xf32>
      %add3A_121 = arith.addf %mul3A_118, %add3A_120 : vector<16xf32>
      %mul3A_122 = arith.mulf %add3A_121, %exp3A : vector<16xf32>
      %add3A_123 = arith.constant 0.996261954 : f32
      %add3A_124 = vector.broadcast %add3A_123 : f32 to vector<16xf32>
      %add3A_125 = arith.addf %mul3A_122, %add3A_124 : vector<16xf32>
      %mul3A_126 = arith.mulf %add3A_125, %exp3A : vector<16xf32>
      %add3A_127 = arith.constant 6.94457412E-5 : f32
      %add3A_128 = vector.broadcast %add3A_127 : f32 to vector<16xf32>
      %add3A_129 = arith.addf %mul3A_126, %add3A_128 : vector<16xf32>
      %max3A = arith.constant 0.000000e+00 : f32
      %max3A_130 = vector.broadcast %max3A : f32 to vector<16xf32>
      %max3A_131 = arith.maximumf %get3A_102, %max3A_130 : vector<16xf32>
      %sub3A_132 = arith.subf %max3A_131, %mul3A_109 : vector<16xf32>
      %add3A_133 = arith.addf %sub3A_132, %add3A_129 : vector<16xf32>
      %add3A_134 = arith.addf %scan3A_63, %add3A_133 : vector<16xf32>
      %mul3A_135 = arith.mulf %add3A_133, %get3A_108 : vector<16xf32>
      %add3A_136 = arith.addf %scan3A_64, %mul3A_135 : vector<16xf32>
      %add3A_137 = arith.addf %scan3A_65, %get3A_108 : vector<16xf32>
      %add3A_138 = arith.constant 16 : i32
      %add3A_139 = arith.addi %mul3A_97, %add3A_138 : i32
      %get3A_140 = arith.index_cast %select_n3A : i32 to index
      %get3A_141 = arith.index_cast %add3A_139 : i32 to index
      %get3A_142 = tpu.vector_load %arg7[%get3A_140, %get3A_141] {strides = array<i32>} : memref<16x512xf32, #tpu.memory_space<vmem>>, vector<1x16xf32>,
      %get3A_143 = vector.shape_cast %get3A_142 : vector<1x16xf32> to vector<16xf32>
      %add3A_144 = arith.constant 16 : i32
      %add3A_145 = arith.addi %mul3A_97, %add3A_144 : i32
      %get3A_146 = arith.index_cast %select_n3A : i32 to index
      %get3A_147 = arith.index_cast %add3A_145 : i32 to index
      %get3A_148 = tpu.vector_load %arg8[%get3A_146, %get3A_147] {strides = array<i32>} : memref<16x512xf32, #tpu.memory_space<vmem>>, vector<1x16xf32>,
      %get3A_149 = vector.shape_cast %get3A_148 : vector<1x16xf32> to vector<16xf32>
      %mul3A_150 = arith.mulf %get3A_143, %get3A_149 : vector<16xf32>
      %neg3A_151 = arith.constant 0.000000e+00 : f32
      %neg3A_152 = vector.broadcast %neg3A_151 : f32 to vector<16xf32>
      %neg3A_153 = arith.subf %neg3A_152, %get3A_143 : vector<16xf32>
      %min3A_154 = arith.minimumf %get3A_143, %neg3A_153 : vector<16xf32>
      %exp3A_155 = math.exp %min3A_154 : vector<16xf32>
      %mul3A_156 = arith.constant -0.0554593131 : f32
      %mul3A_157 = vector.broadcast %mul3A_156 : f32 to vector<16xf32>
      %mul3A_158 = arith.mulf %mul3A_157, %exp3A_155 : vector<16xf32>
      %add3A_159 = arith.constant 0.218665481 : f32
      %add3A_160 = vector.broadcast %add3A_159 : f32 to vector<16xf32>
      %add3A_161 = arith.addf %mul3A_158, %add3A_160 : vector<16xf32>
      %mul3A_162 = arith.mulf %add3A_161, %exp3A_155 : vector<16xf32>
      %add3A_163 = arith.constant -0.466442436 : f32
      %add3A_164 = vector.broadcast %add3A_163 : f32 to vector<16xf32>
      %add3A_165 = arith.addf %mul3A_162, %add3A_164 : vector<16xf32>
      %mul3A_166 = arith.mulf %add3A_165, %exp3A_155 : vector<16xf32>
      %add3A_167 = arith.constant 0.996261954 : f32
      %add3A_168 = vector.broadcast %add3A_167 : f32 to vector<16xf32>
      %add3A_169 = arith.addf %mul3A_166, %add3A_168 : vector<16xf32>
      %mul3A_170 = arith.mulf %add3A_169, %exp3A_155 : vector<16xf32>
      %add3A_171 = arith.constant 6.94457412E-5 : f32
      %add3A_172 = vector.broadcast %add3A_171 : f32 to vector<16xf32>
      %add3A_173 = arith.addf %mul3A_170, %add3A_172 : vector<16xf32>
      %max3A_174 = arith.constant 0.000000e+00 : f32
      %max3A_175 = vector.broadcast %max3A_174 : f32 to vector<16xf32>
      %max3A_176 = arith.maximumf %get3A_143, %max3A_175 : vector<16xf32>
      %sub3A_177 = arith.subf %max3A_176, %mul3A_150 : vector<16xf32>
      %add3A_178 = arith.addf %sub3A_177, %add3A_173 : vector<16xf32>
      %add3A_179 = arith.addf %add3A_134, %add3A_178 : vector<16xf32>
      %mul3A_180 = arith.mulf %add3A_178, %get3A_149 : vector<16xf32>
      %add3A_181 = arith.addf %add3A_136, %mul3A_180 : vector<16xf32>
      %add3A_182 = arith.addf %add3A_137, %get3A_149 : vector<16xf32>
      %add3A_183 = arith.constant 32 : i32
      %add3A_184 = arith.addi %mul3A_97, %add3A_183 : i32
      %get3A_185 = arith.index_cast %select_n3A : i32 to index
      %get3A_186 = arith.index_cast %add3A_184 : i32 to index
      %get3A_187 = tpu.vector_load %arg7[%get3A_185, %get3A_186] {strides = array<i32>} : memref<16x512xf32, #tpu.memory_space<vmem>>, vector<1x16xf32>,
      %get3A_188 = vector.shape_cast %get3A_187 : vector<1x16xf32> to vector<16xf32>
      %add3A_189 = arith.constant 32 : i32
      %add3A_190 = arith.addi %mul3A_97, %add3A_189 : i32
      %get3A_191 = arith.index_cast %select_n3A : i32 to index
      %get3A_192 = arith.index_cast %add3A_190 : i32 to index
      %get3A_193 = tpu.vector_load %arg8[%get3A_191, %get3A_192] {strides = array<i32>} : memref<16x512xf32, #tpu.memory_space<vmem>>, vector<1x16xf32>,
      %get3A_194 = vector.shape_cast %get3A_193 : vector<1x16xf32> to vector<16xf32>
      %mul3A_195 = arith.mulf %get3A_188, %get3A_194 : vector<16xf32>
      %neg3A_196 = arith.constant 0.000000e+00 : f32
      %neg3A_197 = vector.broadcast %neg3A_196 : f32 to vector<16xf32>
      %neg3A_198 = arith.subf %neg3A_197, %get3A_188 : vector<16xf32>
      %min3A_199 = arith.minimumf %get3A_188, %neg3A_198 : vector<16xf32>
      %exp3A_200 = math.exp %min3A_199 : vector<16xf32>
      %mul3A_201 = arith.constant -0.0554593131 : f32
      %mul3A_202 = vector.broadcast %mul3A_201 : f32 to vector<16xf32>
      %mul3A_203 = arith.mulf %mul3A_202, %exp3A_200 : vector<16xf32>
      %add3A_204 = arith.constant 0.218665481 : f32
      %add3A_205 = vector.broadcast %add3A_204 : f32 to vector<16xf32>
      %add3A_206 = arith.addf %mul3A_203, %add3A_205 : vector<16xf32>
      %mul3A_207 = arith.mulf %add3A_206, %exp3A_200 : vector<16xf32>
      %add3A_208 = arith.constant -0.466442436 : f32
      %add3A_209 = vector.broadcast %add3A_208 : f32 to vector<16xf32>
      %add3A_210 = arith.addf %mul3A_207, %add3A_209 : vector<16xf32>
      %mul3A_211 = arith.mulf %add3A_210, %exp3A_200 : vector<16xf32>
      %add3A_212 = arith.constant 0.996261954 : f32
      %add3A_213 = vector.broadcast %add3A_212 : f32 to vector<16xf32>
      %add3A_214 = arith.addf %mul3A_211, %add3A_213 : vector<16xf32>
      %mul3A_215 = arith.mulf %add3A_214, %exp3A_200 : vector<16xf32>
      %add3A_216 = arith.constant 6.94457412E-5 : f32
      %add3A_217 = vector.broadcast %add3A_216 : f32 to vector<16xf32>
      %add3A_218 = arith.addf %mul3A_215, %add3A_217 : vector<16xf32>
      %max3A_219 = arith.constant 0.000000e+00 : f32
      %max3A_220 = vector.broadcast %max3A_219 : f32 to vector<16xf32>
      %max3A_221 = arith.maximumf %get3A_188, %max3A_220 : vector<16xf32>
      %sub3A_222 = arith.subf %max3A_221, %mul3A_195 : vector<16xf32>
      %add3A_223 = arith.addf %sub3A_222, %add3A_218 : vector<16xf32>
      %add3A_224 = arith.addf %add3A_179, %add3A_223 : vector<16xf32>
      %mul3A_225 = arith.mulf %add3A_223, %get3A_194 : vector<16xf32>
      %add3A_226 = arith.addf %add3A_181, %mul3A_225 : vector<16xf32>
      %add3A_227 = arith.addf %add3A_182, %get3A_194 : vector<16xf32>
      %add3A_228 = arith.constant 48 : i32
      %add3A_229 = arith.addi %mul3A_97, %add3A_228 : i32
      %get3A_230 = arith.index_cast %select_n3A : i32 to index
      %get3A_231 = arith.index_cast %add3A_229 : i32 to index
      %get3A_232 = tpu.vector_load %arg7[%get3A_230, %get3A_231] {strides = array<i32>} : memref<16x512xf32, #tpu.memory_space<vmem>>, vector<1x16xf32>,
      %get3A_233 = vector.shape_cast %get3A_232 : vector<1x16xf32> to vector<16xf32>
      %add3A_234 = arith.constant 48 : i32
      %add3A_235 = arith.addi %mul3A_97, %add3A_234 : i32
      %get3A_236 = arith.index_cast %select_n3A : i32 to index
      %get3A_237 = arith.index_cast %add3A_235 : i32 to index
      %get3A_238 = tpu.vector_load %arg8[%get3A_236, %get3A_237] {strides = array<i32>} : memref<16x512xf32, #tpu.memory_space<vmem>>, vector<1x16xf32>,
      %get3A_239 = vector.shape_cast %get3A_238 : vector<1x16xf32> to vector<16xf32>
      %mul3A_240 = arith.mulf %get3A_233, %get3A_239 : vector<16xf32>
      %neg3A_241 = arith.constant 0.000000e+00 : f32
      %neg3A_242 = vector.broadcast %neg3A_241 : f32 to vector<16xf32>
      %neg3A_243 = arith.subf %neg3A_242, %get3A_233 : vector<16xf32>
      %min3A_244 = arith.minimumf %get3A_233, %neg3A_243 : vector<16xf32>
      %exp3A_245 = math.exp %min3A_244 : vector<16xf32>
      %mul3A_246 = arith.constant -0.0554593131 : f32
      %mul3A_247 = vector.broadcast %mul3A_246 : f32 to vector<16xf32>
      %mul3A_248 = arith.mulf %mul3A_247, %exp3A_245 : vector<16xf32>
      %add3A_249 = arith.constant 0.218665481 : f32
      %add3A_250 = vector.broadcast %add3A_249 : f32 to vector<16xf32>
      %add3A_251 = arith.addf %mul3A_248, %add3A_250 : vector<16xf32>
      %mul3A_252 = arith.mulf %add3A_251, %exp3A_245 : vector<16xf32>
      %add3A_253 = arith.constant -0.466442436 : f32
      %add3A_254 = vector.broadcast %add3A_253 : f32 to vector<16xf32>
      %add3A_255 = arith.addf %mul3A_252, %add3A_254 : vector<16xf32>
      %mul3A_256 = arith.mulf %add3A_255, %exp3A_245 : vector<16xf32>
      %add3A_257 = arith.constant 0.996261954 : f32
      %add3A_258 = vector.broadcast %add3A_257 : f32 to vector<16xf32>
      %add3A_259 = arith.addf %mul3A_256, %add3A_258 : vector<16xf32>
      %mul3A_260 = arith.mulf %add3A_259, %exp3A_245 : vector<16xf32>
      %add3A_261 = arith.constant 6.94457412E-5 : f32
      %add3A_262 = vector.broadcast %add3A_261 : f32 to vector<16xf32>
      %add3A_263 = arith.addf %mul3A_260, %add3A_262 : vector<16xf32>
      %max3A_264 = arith.constant 0.000000e+00 : f32
      %max3A_265 = vector.broadcast %max3A_264 : f32 to vector<16xf32>
      %max3A_266 = arith.maximumf %get3A_233, %max3A_265 : vector<16xf32>
      %sub3A_267 = arith.subf %max3A_266, %mul3A_240 : vector<16xf32>
      %add3A_268 = arith.addf %sub3A_267, %add3A_263 : vector<16xf32>
      %add3A_269 = arith.addf %add3A_224, %add3A_268 : vector<16xf32>
      %mul3A_270 = arith.mulf %add3A_268, %get3A_239 : vector<16xf32>
      %add3A_271 = arith.addf %add3A_226, %mul3A_270 : vector<16xf32>
      %add3A_272 = arith.addf %add3A_227, %get3A_239 : vector<16xf32>
      %add3A_273 = arith.constant 64 : i32
      %add3A_274 = arith.addi %mul3A_97, %add3A_273 : i32
      %get3A_275 = arith.index_cast %select_n3A : i32 to index
      %get3A_276 = arith.index_cast %add3A_274 : i32 to index
      %get3A_277 = tpu.vector_load %arg7[%get3A_275, %get3A_276] {strides = array<i32>} : memref<16x512xf32, #tpu.memory_space<vmem>>, vector<1x16xf32>,
      %get3A_278 = vector.shape_cast %get3A_277 : vector<1x16xf32> to vector<16xf32>
      %add3A_279 = arith.constant 64 : i32
      %add3A_280 = arith.addi %mul3A_97, %add3A_279 : i32
      %get3A_281 = arith.index_cast %select_n3A : i32 to index
      %get3A_282 = arith.index_cast %add3A_280 : i32 to index
      %get3A_283 = tpu.vector_load %arg8[%get3A_281, %get3A_282] {strides = array<i32>} : memref<16x512xf32, #tpu.memory_space<vmem>>, vector<1x16xf32>,
      %get3A_284 = vector.shape_cast %get3A_283 : vector<1x16xf32> to vector<16xf32>
      %mul3A_285 = arith.mulf %get3A_278, %get3A_284 : vector<16xf32>
      %neg3A_286 = arith.constant 0.000000e+00 : f32
      %neg3A_287 = vector.broadcast %neg3A_286 : f32 to vector<16xf32>
      %neg3A_288 = arith.subf %neg3A_287, %get3A_278 : vector<16xf32>
      %min3A_289 = arith.minimumf %get3A_278, %neg3A_288 : vector<16xf32>
      %exp3A_290 = math.exp %min3A_289 : vector<16xf32>
      %mul3A_291 = arith.constant -0.0554593131 : f32
      %mul3A_292 = vector.broadcast %mul3A_291 : f32 to vector<16xf32>
      %mul3A_293 = arith.mulf %mul3A_292, %exp3A_290 : vector<16xf32>
      %add3A_294 = arith.constant 0.218665481 : f32
      %add3A_295 = vector.broadcast %add3A_294 : f32 to vector<16xf32>
      %add3A_296 = arith.addf %mul3A_293, %add3A_295 : vector<16xf32>
      %mul3A_297 = arith.mulf %add3A_296, %exp3A_290 : vector<16xf32>
      %add3A_298 = arith.constant -0.466442436 : f32
      %add3A_299 = vector.broadcast %add3A_298 : f32 to vector<16xf32>
      %add3A_300 = arith.addf %mul3A_297, %add3A_299 : vector<16xf32>
      %mul3A_301 = arith.mulf %add3A_300, %exp3A_290 : vector<16xf32>
      %add3A_302 = arith.constant 0.996261954 : f32
      %add3A_303 = vector.broadcast %add3A_302 : f32 to vector<16xf32>
      %add3A_304 = arith.addf %mul3A_301, %add3A_303 : vector<16xf32>
      %mul3A_305 = arith.mulf %add3A_304, %exp3A_290 : vector<16xf32>
      %add3A_306 = arith.constant 6.94457412E-5 : f32
      %add3A_307 = vector.broadcast %add3A_306 : f32 to vector<16xf32>
      %add3A_308 = arith.addf %mul3A_305, %add3A_307 : vector<16xf32>
      %max3A_309 = arith.constant 0.000000e+00 : f32
      %max3A_310 = vector.broadcast %max3A_309 : f32 to vector<16xf32>
      %max3A_311 = arith.maximumf %get3A_278, %max3A_310 : vector<16xf32>
      %sub3A_312 = arith.subf %max3A_311, %mul3A_285 : vector<16xf32>
      %add3A_313 = arith.addf %sub3A_312, %add3A_308 : vector<16xf32>
      %add3A_314 = arith.addf %add3A_269, %add3A_313 : vector<16xf32>
      %mul3A_315 = arith.mulf %add3A_313, %get3A_284 : vector<16xf32>
      %add3A_316 = arith.addf %add3A_271, %mul3A_315 : vector<16xf32>
      %add3A_317 = arith.addf %add3A_272, %get3A_284 : vector<16xf32>
      %add3A_318 = arith.constant 80 : i32
      %add3A_319 = arith.addi %mul3A_97, %add3A_318 : i32
      %get3A_320 = arith.index_cast %select_n3A : i32 to index
      %get3A_321 = arith.index_cast %add3A_319 : i32 to index
      %get3A_322 = tpu.vector_load %arg7[%get3A_320, %get3A_321] {strides = array<i32>} : memref<16x512xf32, #tpu.memory_space<vmem>>, vector<1x16xf32>,
      %get3A_323 = vector.shape_cast %get3A_322 : vector<1x16xf32> to vector<16xf32>
      %add3A_324 = arith.constant 80 : i32
      %add3A_325 = arith.addi %mul3A_97, %add3A_324 : i32
      %get3A_326 = arith.index_cast %select_n3A : i32 to index
      %get3A_327 = arith.index_cast %add3A_325 : i32 to index
      %get3A_328 = tpu.vector_load %arg8[%get3A_326, %get3A_327] {strides = array<i32>} : memref<16x512xf32, #tpu.memory_space<vmem>>, vector<1x16xf32>,
      %get3A_329 = vector.shape_cast %get3A_328 : vector<1x16xf32> to vector<16xf32>
      %mul3A_330 = arith.mulf %get3A_323, %get3A_329 : vector<16xf32>
      %neg3A_331 = arith.constant 0.000000e+00 : f32
      %neg3A_332 = vector.broadcast %neg3A_331 : f32 to vector<16xf32>
      %neg3A_333 = arith.subf %neg3A_332, %get3A_323 : vector<16xf32>
      %min3A_334 = arith.minimumf %get3A_323, %neg3A_333 : vector<16xf32>
      %exp3A_335 = math.exp %min3A_334 : vector<16xf32>
      %mul3A_336 = arith.constant -0.0554593131 : f32
      %mul3A_337 = vector.broadcast %mul3A_336 : f32 to vector<16xf32>
      %mul3A_338 = arith.mulf %mul3A_337, %exp3A_335 : vector<16xf32>
      %add3A_339 = arith.constant 0.218665481 : f32
      %add3A_340 = vector.broadcast %add3A_339 : f32 to vector<16xf32>
      %add3A_341 = arith.addf %mul3A_338, %add3A_340 : vector<16xf32>
      %mul3A_342 = arith.mulf %add3A_341, %exp3A_335 : vector<16xf32>
      %add3A_343 = arith.constant -0.466442436 : f32
      %add3A_344 = vector.broadcast %add3A_343 : f32 to vector<16xf32>
      %add3A_345 = arith.addf %mul3A_342, %add3A_344 : vector<16xf32>
      %mul3A_346 = arith.mulf %add3A_345, %exp3A_335 : vector<16xf32>
      %add3A_347 = arith.constant 0.996261954 : f32
      %add3A_348 = vector.broadcast %add3A_347 : f32 to vector<16xf32>
      %add3A_349 = arith.addf %mul3A_346, %add3A_348 : vector<16xf32>
      %mul3A_350 = arith.mulf %add3A_349, %exp3A_335 : vector<16xf32>
      %add3A_351 = arith.constant 6.94457412E-5 : f32
      %add3A_352 = vector.broadcast %add3A_351 : f32 to vector<16xf32>
      %add3A_353 = arith.addf %mul3A_350, %add3A_352 : vector<16xf32>
      %max3A_354 = arith.constant 0.000000e+00 : f32
      %max3A_355 = vector.broadcast %max3A_354 : f32 to vector<16xf32>
      %max3A_356 = arith.maximumf %get3A_323, %max3A_355 : vector<16xf32>
      %sub3A_357 = arith.subf %max3A_356, %mul3A_330 : vector<16xf32>
      %add3A_358 = arith.addf %sub3A_357, %add3A_353 : vector<16xf32>
      %add3A_359 = arith.addf %add3A_314, %add3A_358 : vector<16xf32>
      %mul3A_360 = arith.mulf %add3A_358, %get3A_329 : vector<16xf32>
      %add3A_361 = arith.addf %add3A_316, %mul3A_360 : vector<16xf32>
      %add3A_362 = arith.addf %add3A_317, %get3A_329 : vector<16xf32>
      %add3A_363 = arith.constant 96 : i32
      %add3A_364 = arith.addi %mul3A_97, %add3A_363 : i32
      %get3A_365 = arith.index_cast %select_n3A : i32 to index
      %get3A_366 = arith.index_cast %add3A_364 : i32 to index
      %get3A_367 = tpu.vector_load %arg7[%get3A_365, %get3A_366] {strides = array<i32>} : memref<16x512xf32, #tpu.memory_space<vmem>>, vector<1x16xf32>,
      %get3A_368 = vector.shape_cast %get3A_367 : vector<1x16xf32> to vector<16xf32>
      %add3A_369 = arith.constant 96 : i32
      %add3A_370 = arith.addi %mul3A_97, %add3A_369 : i32
      %get3A_371 = arith.index_cast %select_n3A : i32 to index
      %get3A_372 = arith.index_cast %add3A_370 : i32 to index
      %get3A_373 = tpu.vector_load %arg8[%get3A_371, %get3A_372] {strides = array<i32>} : memref<16x512xf32, #tpu.memory_space<vmem>>, vector<1x16xf32>,
      %get3A_374 = vector.shape_cast %get3A_373 : vector<1x16xf32> to vector<16xf32>
      %mul3A_375 = arith.mulf %get3A_368, %get3A_374 : vector<16xf32>
      %neg3A_376 = arith.constant 0.000000e+00 : f32
      %neg3A_377 = vector.broadcast %neg3A_376 : f32 to vector<16xf32>
      %neg3A_378 = arith.subf %neg3A_377, %get3A_368 : vector<16xf32>
      %min3A_379 = arith.minimumf %get3A_368, %neg3A_378 : vector<16xf32>
      %exp3A_380 = math.exp %min3A_379 : vector<16xf32>
      %mul3A_381 = arith.constant -0.0554593131 : f32
      %mul3A_382 = vector.broadcast %mul3A_381 : f32 to vector<16xf32>
      %mul3A_383 = arith.mulf %mul3A_382, %exp3A_380 : vector<16xf32>
      %add3A_384 = arith.constant 0.218665481 : f32
      %add3A_385 = vector.broadcast %add3A_384 : f32 to vector<16xf32>
      %add3A_386 = arith.addf %mul3A_383, %add3A_385 : vector<16xf32>
      %mul3A_387 = arith.mulf %add3A_386, %exp3A_380 : vector<16xf32>
      %add3A_388 = arith.constant -0.466442436 : f32
      %add3A_389 = vector.broadcast %add3A_388 : f32 to vector<16xf32>
      %add3A_390 = arith.addf %mul3A_387, %add3A_389 : vector<16xf32>
      %mul3A_391 = arith.mulf %add3A_390, %exp3A_380 : vector<16xf32>
      %add3A_392 = arith.constant 0.996261954 : f32
      %add3A_393 = vector.broadcast %add3A_392 : f32 to vector<16xf32>
      %add3A_394 = arith.addf %mul3A_391, %add3A_393 : vector<16xf32>
      %mul3A_395 = arith.mulf %add3A_394, %exp3A_380 : vector<16xf32>
      %add3A_396 = arith.constant 6.94457412E-5 : f32
      %add3A_397 = vector.broadcast %add3A_396 : f32 to vector<16xf32>
      %add3A_398 = arith.addf %mul3A_395, %add3A_397 : vector<16xf32>
      %max3A_399 = arith.constant 0.000000e+00 : f32
      %max3A_400 = vector.broadcast %max3A_399 : f32 to vector<16xf32>
      %max3A_401 = arith.maximumf %get3A_368, %max3A_400 : vector<16xf32>
      %sub3A_402 = arith.subf %max3A_401, %mul3A_375 : vector<16xf32>
      %add3A_403 = arith.addf %sub3A_402, %add3A_398 : vector<16xf32>
      %add3A_404 = arith.addf %add3A_359, %add3A_403 : vector<16xf32>
      %mul3A_405 = arith.mulf %add3A_403, %get3A_374 : vector<16xf32>
      %add3A_406 = arith.addf %add3A_361, %mul3A_405 : vector<16xf32>
      %add3A_407 = arith.addf %add3A_362, %get3A_374 : vector<16xf32>
      %add3A_408 = arith.constant 112 : i32
      %add3A_409 = arith.addi %mul3A_97, %add3A_408 : i32
      %get3A_410 = arith.index_cast %select_n3A : i32 to index
      %get3A_411 = arith.index_cast %add3A_409 : i32 to index
      %get3A_412 = tpu.vector_load %arg7[%get3A_410, %get3A_411] {strides = array<i32>} : memref<16x512xf32, #tpu.memory_space<vmem>>, vector<1x16xf32>,
      %get3A_413 = vector.shape_cast %get3A_412 : vector<1x16xf32> to vector<16xf32>
      %add3A_414 = arith.constant 112 : i32
      %add3A_415 = arith.addi %mul3A_97, %add3A_414 : i32
      %get3A_416 = arith.index_cast %select_n3A : i32 to index
      %get3A_417 = arith.index_cast %add3A_415 : i32 to index
      %get3A_418 = tpu.vector_load %arg8[%get3A_416, %get3A_417] {strides = array<i32>} : memref<16x512xf32, #tpu.memory_space<vmem>>, vector<1x16xf32>,
      %get3A_419 = vector.shape_cast %get3A_418 : vector<1x16xf32> to vector<16xf32>
      %mul3A_420 = arith.mulf %get3A_413, %get3A_419 : vector<16xf32>
      %neg3A_421 = arith.constant 0.000000e+00 : f32
      %neg3A_422 = vector.broadcast %neg3A_421 : f32 to vector<16xf32>
      %neg3A_423 = arith.subf %neg3A_422, %get3A_413 : vector<16xf32>
      %min3A_424 = arith.minimumf %get3A_413, %neg3A_423 : vector<16xf32>
      %exp3A_425 = math.exp %min3A_424 : vector<16xf32>
      %mul3A_426 = arith.constant -0.0554593131 : f32
      %mul3A_427 = vector.broadcast %mul3A_426 : f32 to vector<16xf32>
      %mul3A_428 = arith.mulf %mul3A_427, %exp3A_425 : vector<16xf32>
      %add3A_429 = arith.constant 0.218665481 : f32
      %add3A_430 = vector.broadcast %add3A_429 : f32 to vector<16xf32>
      %add3A_431 = arith.addf %mul3A_428, %add3A_430 : vector<16xf32>
      %mul3A_432 = arith.mulf %add3A_431, %exp3A_425 : vector<16xf32>
      %add3A_433 = arith.constant -0.466442436 : f32
      %add3A_434 = vector.broadcast %add3A_433 : f32 to vector<16xf32>
      %add3A_435 = arith.addf %mul3A_432, %add3A_434 : vector<16xf32>
      %mul3A_436 = arith.mulf %add3A_435, %exp3A_425 : vector<16xf32>
      %add3A_437 = arith.constant 0.996261954 : f32
      %add3A_438 = vector.broadcast %add3A_437 : f32 to vector<16xf32>
      %add3A_439 = arith.addf %mul3A_436, %add3A_438 : vector<16xf32>
      %mul3A_440 = arith.mulf %add3A_439, %exp3A_425 : vector<16xf32>
      %add3A_441 = arith.constant 6.94457412E-5 : f32
      %add3A_442 = vector.broadcast %add3A_441 : f32 to vector<16xf32>
      %add3A_443 = arith.addf %mul3A_440, %add3A_442 : vector<16xf32>
      %max3A_444 = arith.constant 0.000000e+00 : f32
      %max3A_445 = vector.broadcast %max3A_444 : f32 to vector<16xf32>
      %max3A_446 = arith.maximumf %get3A_413, %max3A_445 : vector<16xf32>
      %sub3A_447 = arith.subf %max3A_446, %mul3A_420 : vector<16xf32>
      %add3A_448 = arith.addf %sub3A_447, %add3A_443 : vector<16xf32>
      %add3A_449 = arith.addf %add3A_404, %add3A_448 : vector<16xf32>
      %mul3A_450 = arith.mulf %add3A_448, %get3A_419 : vector<16xf32>
      %add3A_451 = arith.addf %add3A_406, %mul3A_450 : vector<16xf32>
      %add3A_452 = arith.addf %add3A_407, %get3A_419 : vector<16xf32>
      scf.yield %add3A_449, %add3A_451, %add3A_452 : vector<16xf32>, vector<16xf32>, vector<16xf32>
    }
    %scan3A_50 = arith.constant 64 : i32
    %swap3A = arith.constant 0 : index
    %swap3A_51 = tpu.vector_load %arg9[%swap3A] {strides = array<i32>} : memref<48xf32, #tpu.memory_space<vmem>>, vector<16xf32>,
    %swap3A_52 = vector.shape_cast %swap3A_51 : vector<16xf32> to vector<16xf32>
    %swap3A_53 = vector.shape_cast %scan3A_49#0 : vector<16xf32> to vector<16xf32>
    tpu.vector_store %arg9[%swap3A], %swap3A_53 {strides = array<i32>} : memref<48xf32, #tpu.memory_space<vmem>>, vector<16xf32>,
    %swap3A_54 = arith.constant 16 : index
    %swap3A_55 = tpu.vector_load %arg9[%swap3A_54] {strides = array<i32>} : memref<48xf32, #tpu.memory_space<vmem>>, vector<16xf32>,
    %swap3A_56 = vector.shape_cast %swap3A_55 : vector<16xf32> to vector<16xf32>
    %swap3A_57 = vector.shape_cast %scan3A_49#1 : vector<16xf32> to vector<16xf32>
    tpu.vector_store %arg9[%swap3A_54], %swap3A_57 {strides = array<i32>} : memref<48xf32, #tpu.memory_space<vmem>>, vector<16xf32>,
    %swap3A_58 = arith.constant 32 : index
    %swap3A_59 = tpu.vector_load %arg9[%swap3A_58] {strides = array<i32>} : memref<48xf32, #tpu.memory_space<vmem>>, vector<16xf32>,
    %swap3A_60 = vector.shape_cast %swap3A_59 : vector<16xf32> to vector<16xf32>
    %swap3A_61 = vector.shape_cast %scan3A_49#2 : vector<16xf32> to vector<16xf32>
    tpu.vector_store %arg9[%swap3A_58], %swap3A_61 {strides = array<i32>} : memref<48xf32, #tpu.memory_space<vmem>>, vector<16xf32>,
    "tpu.region"() ({
      %run_scoped3A = tpu.sem_alloc : memref<!tpu.dma_semaphore, #tpu.memory_space<semaphore_mem>>
      %dma_start3A_62 = arith.constant 0 : i32
      %dma_start3A_63 = tpu.memref_slice %arg4[%add3A, %dma_start3A_62] : memref<32x48xf32, #tpu.memory_space<hbm>> -> memref<1x48xf32, #tpu.memory_space<hbm>>
      %dma_start3A_64 = tpu.memref_squeeze %dma_start3A_63 : memref<1x48xf32, #tpu.memory_space<hbm>> -> memref<48xf32, #tpu.memory_space<hbm>>
      %dma_start3A_65 = arith.constant 0 : i32
      %dma_start3A_66 = tpu.memref_slice %arg4[%add3A, %dma_start3A_65] : memref<32x48xf32, #tpu.memory_space<hbm>> -> memref<1x48xf32, #tpu.memory_space<hbm>>
      %dma_start3A_67 = tpu.memref_squeeze %dma_start3A_66 : memref<1x48xf32, #tpu.memory_space<hbm>> -> memref<48xf32, #tpu.memory_space<hbm>>
      tpu.enqueue_dma source(%arg9 : memref<48xf32, #tpu.memory_space<vmem>>) target(%dma_start3A_67 : memref<48xf32, #tpu.memory_space<hbm>>) target_semaphore(%run_scoped3A : memref<!tpu.dma_semaphore, #tpu.memory_space<semaphore_mem>>)
      %dma_wait3A_68 = arith.constant 0 : i32
      %dma_wait3A_69 = tpu.memref_slice %arg4[%add3A, %dma_wait3A_68] : memref<32x48xf32, #tpu.memory_space<hbm>> -> memref<1x48xf32, #tpu.memory_space<hbm>>
      %dma_wait3A_70 = tpu.memref_squeeze %dma_wait3A_69 : memref<1x48xf32, #tpu.memory_space<hbm>> -> memref<48xf32, #tpu.memory_space<hbm>>
      %dma_wait3A_71 = arith.constant 0 : i32
      %dma_wait3A_72 = tpu.memref_slice %arg4[%add3A, %dma_wait3A_71] : memref<32x48xf32, #tpu.memory_space<hbm>> -> memref<1x48xf32, #tpu.memory_space<hbm>>
      %dma_wait3A_73 = tpu.memref_squeeze %dma_wait3A_72 : memref<1x48xf32, #tpu.memory_space<hbm>> -> memref<48xf32, #tpu.memory_space<hbm>>
      tpu.wait_dma2 semaphore(%run_scoped3A : memref<!tpu.dma_semaphore, #tpu.memory_space<semaphore_mem>>) src(%arg9 : memref<48xf32, #tpu.memory_space<vmem>>) dst(%dma_wait3A_73 : memref<48xf32, #tpu.memory_space<hbm>>)
      tpu.yield
    }) : () -> ()
    return
  }
}

module attributes {stable_mosaic.version = 14 : i64} {
  func.func @_tc_body(%arg0: i32, %arg1: memref<512x512xf32, #tpu.memory_space<vmem>>, %arg2: memref<512x512xf32, #tpu.memory_space<vmem>>, %arg3: memref<3xf32, #tpu.memory_space<smem>>) attributes {dimension_semantics = [#tpu.dimension_semantics<arbitrary>], iteration_bounds = array<i64: 6>, scalar_prefetch = 0 : i64, scratch_operands = 0 : i64, tpu.core_type = #tpu.core_type<tc>, window_params = [{transform_indices = @transform_0, window_bounds = array<i64: 512, 512>}, {transform_indices = @transform_1, window_bounds = array<i64: 512, 512>}, {transform_indices = @transform_2, window_bounds = array<i64: 3>}]} {
    %eq3A = arith.constant 0 : i32
    %eq3A_0 = arith.cmpi eq, %arg0, %eq3A : i32
    %convert_element_type3A = arith.extui %eq3A_0 : i1 to i32
    %cond3A = arith.constant 0 : i32
    %cond3A_1 = arith.cmpi ne, %convert_element_type3A, %cond3A : i32
    scf.if %cond3A_1 {
      %swap3A_40 = arith.constant 0.000000e+00 : f32
      %swap3A_41 = arith.constant 0 : index
      %swap3A_42 = memref.load %arg3[%swap3A_41] : memref<3xf32, #tpu.memory_space<smem>>
      memref.store %swap3A_40, %arg3[%swap3A_41] : memref<3xf32, #tpu.memory_space<smem>>
      %swap3A_43 = arith.constant 0.000000e+00 : f32
      %swap3A_44 = arith.constant 1 : index
      %swap3A_45 = memref.load %arg3[%swap3A_44] : memref<3xf32, #tpu.memory_space<smem>>
      memref.store %swap3A_43, %arg3[%swap3A_44] : memref<3xf32, #tpu.memory_space<smem>>
      %swap3A_46 = arith.constant 0.000000e+00 : f32
      %swap3A_47 = arith.constant 2 : index
      %swap3A_48 = memref.load %arg3[%swap3A_47] : memref<3xf32, #tpu.memory_space<smem>>
      memref.store %swap3A_46, %arg3[%swap3A_47] : memref<3xf32, #tpu.memory_space<smem>>
    } else {
    }
    %get3A = arith.constant 0 : index
    %get3A_2 = arith.constant 0 : index
    %get3A_3 = vector.load %arg1[%get3A, %get3A_2] : memref<512x512xf32, #tpu.memory_space<vmem>>, vector<512x512xf32>
    %get3A_4 = arith.constant 0 : index
    %get3A_5 = arith.constant 0 : index
    %get3A_6 = vector.load %arg2[%get3A_4, %get3A_5] : memref<512x512xf32, #tpu.memory_space<vmem>>, vector<512x512xf32>
    %max3A = arith.constant 0.000000e+00 : f32
    %max3A_7 = vector.broadcast %max3A : f32 to vector<512x512xf32>
    %max3A_8 = arith.maximumf %get3A_3, %max3A_7 : vector<512x512xf32>
    %mul3A = arith.mulf %get3A_3, %get3A_6 : vector<512x512xf32>
    %sub3A = arith.subf %max3A_8, %mul3A : vector<512x512xf32>
    %abs3A = math.absf %get3A_3 : vector<512x512xf32>
    %neg3A = arith.constant 0.000000e+00 : f32
    %neg3A_9 = vector.broadcast %neg3A : f32 to vector<512x512xf32>
    %neg3A_10 = arith.subf %neg3A_9, %abs3A : vector<512x512xf32>
    %exp3A = math.exp %neg3A_10 : vector<512x512xf32>
    %log1p3A = math.log1p %exp3A : vector<512x512xf32>
    %add3A = arith.addf %sub3A, %log1p3A : vector<512x512xf32>
    %get3A_11 = arith.constant 0 : index
    %get3A_12 = memref.load %arg3[%get3A_11] : memref<3xf32, #tpu.memory_space<smem>>
    %reduce_sum3A = vector.shape_cast %add3A : vector<512x512xf32> to vector<1x512x512xf32>
    %reduce_sum3A_13 = arith.constant dense<0.000000e+00> : vector<1xf32>
    %reduce_sum3A_14 = vector.multi_reduction <add>, %reduce_sum3A, %reduce_sum3A_13 [1, 2] : vector<1x512x512xf32> to vector<1xf32>
    %reduce_sum3A_15 = vector.shape_cast %reduce_sum3A_14 : vector<1xf32> to vector<1x1x1xf32>
    %reduce_sum3A_16 = vector.extract %reduce_sum3A_15[0, 0, 0] : f32 from vector<1x1x1xf32>
    %add3A_17 = arith.addf %get3A_12, %reduce_sum3A_16 : f32
    %swap3A = arith.constant 0 : index
    %swap3A_18 = memref.load %arg3[%swap3A] : memref<3xf32, #tpu.memory_space<smem>>
    memref.store %add3A_17, %arg3[%swap3A] : memref<3xf32, #tpu.memory_space<smem>>
    %get3A_19 = arith.constant 1 : index
    %get3A_20 = memref.load %arg3[%get3A_19] : memref<3xf32, #tpu.memory_space<smem>>
    %mul3A_21 = arith.mulf %add3A, %get3A_6 : vector<512x512xf32>
    %reduce_sum3A_22 = vector.shape_cast %mul3A_21 : vector<512x512xf32> to vector<1x512x512xf32>
    %reduce_sum3A_23 = arith.constant dense<0.000000e+00> : vector<1xf32>
    %reduce_sum3A_24 = vector.multi_reduction <add>, %reduce_sum3A_22, %reduce_sum3A_23 [1, 2] : vector<1x512x512xf32> to vector<1xf32>
    %reduce_sum3A_25 = vector.shape_cast %reduce_sum3A_24 : vector<1xf32> to vector<1x1x1xf32>
    %reduce_sum3A_26 = vector.extract %reduce_sum3A_25[0, 0, 0] : f32 from vector<1x1x1xf32>
    %add3A_27 = arith.addf %get3A_20, %reduce_sum3A_26 : f32
    %swap3A_28 = arith.constant 1 : index
    %swap3A_29 = memref.load %arg3[%swap3A_28] : memref<3xf32, #tpu.memory_space<smem>>
    memref.store %add3A_27, %arg3[%swap3A_28] : memref<3xf32, #tpu.memory_space<smem>>
    %get3A_30 = arith.constant 2 : index
    %get3A_31 = memref.load %arg3[%get3A_30] : memref<3xf32, #tpu.memory_space<smem>>
    %reduce_sum3A_32 = vector.shape_cast %get3A_6 : vector<512x512xf32> to vector<1x512x512xf32>
    %reduce_sum3A_33 = arith.constant dense<0.000000e+00> : vector<1xf32>
    %reduce_sum3A_34 = vector.multi_reduction <add>, %reduce_sum3A_32, %reduce_sum3A_33 [1, 2] : vector<1x512x512xf32> to vector<1xf32>
    %reduce_sum3A_35 = vector.shape_cast %reduce_sum3A_34 : vector<1xf32> to vector<1x1x1xf32>
    %reduce_sum3A_36 = vector.extract %reduce_sum3A_35[0, 0, 0] : f32 from vector<1x1x1xf32>
    %add3A_37 = arith.addf %get3A_31, %reduce_sum3A_36 : f32
    %swap3A_38 = arith.constant 2 : index
    %swap3A_39 = memref.load %arg3[%swap3A_38] : memref<3xf32, #tpu.memory_space<smem>>
    memref.store %add3A_37, %arg3[%swap3A_38] : memref<3xf32, #tpu.memory_space<smem>>
    return
  }
  func.func @transform_0(%arg0: i32) -> (i32, i32) {
    %c0_i32 = arith.constant 0 : i32
    %c0_i32_0 = arith.constant 0 : i32
    return %arg0, %c0_i32 : i32, i32
  }
  func.func @transform_1(%arg0: i32) -> (i32, i32) {
    %c0_i32 = arith.constant 0 : i32
    %c0_i32_0 = arith.constant 0 : i32
    return %arg0, %c0_i32 : i32, i32
  }
  func.func @transform_2(%arg0: i32) -> i32 {
    %c0_i32 = arith.constant 0 : i32
    %c0_i32_0 = arith.constant 0 : i32
    return %c0_i32 : i32
  }
}

</mosaic_0001>

<sc_bundles>
// kernel: kernel.4.cloned.1.call-start
scs
__scs_entry_jumppad:
0x0: {  	(pc) =	sbr.rel $0x88, $3  }
0x1: {  	(tag) =	ssettag $0x0;
	lr =	simm.s32 $0x1  }
0x2: {  	[smem:$0x3F9F] =	sst lr;
	_ =	strace $0xD0000000  }
0x3: {  	_ = 	snop  }
0x4: {  	_ = 	snop  }
0x5: {  	_ = 	snop  }
0x6: {  	_ = 	snop  }
0x7: {  	_ = 	snop  }
__scs_overlays_trampoline_lowered:
0x8: {  	[smem:$0x3FAE] =	sst s0  }
0x9: {  	[smem:$0x3FAF] =	sst s1  }
0xa: {  	[smem:$0x3FB0] =	sst s2  }
0xb: {  	[smem:$0x3FB1] =	sst s3  }
0xc: {  	[smem:$0x3FB2] =	sst s4  }
0xd: {  	[smem:$0x3FB3] =	sst s5  }
0xe: {  	[smem:$0x3FB4] =	sst s6  }
0xf: {  	[smem:$0x3FB5] =	sst s7  }
0x10: {  	[smem:$0x3FB6] =	sst s8  }
0x11: {  	[smem:$0x3FB7] =	sst s9;
	s0 =	simm.s32 @!p0 $0x0  }
0x12: {  	s1 =	sld [smem:$0x3F9D];
	s0 =	simm.s32 @p0 $0x1  }
0x13: {  	[smem:$0x3FB8] =	sst s0;
	s0 =	simm.s32 @!p1 $0x0  }
0x14: {  	s2 =	sld [smem:$0x3F9C];
	s0 =	simm.s32 @p1 $0x1  }
0x15: {  	[smem:$0x3FB9] =	sst s0;
	s0 =	simm.s32 @!p2 $0x0  }
0x16: {  	s3 =	sld [smem:$0x3FDB];
	s0 =	simm.s32 @p2 $0x1  }
0x17: {  	s4 =	simm.s32 $0x1BF5;
	[smem:$0x3FBB] =	sst s0  }
0x18: {  	s0 =	sld [smem:$0x3F9E];
	_ =	swait.ge [sflag:s4], $0x0  }
0x19: {  	s7 =	sld [smem:$0x3F9F]  }
0x1a: {  	s8 =	sadd.s32 $0xFFFFE003, lr  }
0x1b: {  	s9 =	sadd.s32 $0xFFFFFEF7, lr;
	s5 =	simm.s32 $0xFFFFFFFF;
	p2 =	slt.u32 s8, $0xFFFFF086  }
0x1c: {  	p1 =	slt.u32 s9, $0xF7A;
	s5 =	simm.s32 @!p2 $0x0  }
0x1d: {  	s5 =	simm.s32 @p1 $0x1;
	p0 =	seq.s32 s7, s2  }
0x1e: {  	s7 =	smul.u32 @!p0 $0xF7A, s2;
	p2 =	seq.s32 @!p0 s5, $0x0  }
0x1f: {  	s9 =	smul.u32 $0xF7A, s1;
	s8 =	simm.s32 @!p0 $0x1BF5;
	p2 =	por !p2, p0  }
0x20: {  	[sflag:s8] =	ssyncset.s32 @!p0 $0xFFFFF086;
	s6 =	sadd.s32 @!p0 s3, s7;
	s7 =	simm.s32 @!p0 $0x108  }
0x21: {  	s3 =	sadd.s32 s3, s9;
	s6 =	sadd.s32 @!p0 $0x88, s6;
	s7 =	simm.s32 @p2 $0x1082  }
0x22: {  	[simem:s7], [sflag:s8] =	dma.local @!p0 [hbm:s6], $0xF7A  }
0x23: {  	s9 =	sor.u32 $0xD0000000, s2;
	s6 =	simm.s32 $0x108;
	_ =	swait.ge @!p0 [sflag:s8], $0x0  }
0x24: {  	s3 =	sadd.s32 $0x88, s3;
	s6 =	simm.s32 @!p1 $0x1082;
	[sflag:s4] =	ssyncset.s32 $0xFFFFF086  }
0x25: {  	[simem:s6], [sflag:s4] =	dma.local [hbm:s3], $0xF7A  }
0x26: {  	[smem:$0x3F9F] =	sst s1;
	(tag) =	ssettag s2;
	_ =	strace s9  }
0x27: {  	s1 =	sld [smem:$0x3FAF]  }
0x28: {  	s2 =	sld [smem:$0x3FB0]  }
0x29: {  	s4 =	sld [smem:$0x3FB2]  }
0x2a: {  	p0 =	seq.s32 s5, $0x0;
	s5 =	sld [smem:$0x3FB3]  }
0x2b: {  	s6 =	sld [smem:$0x3FB4]  }
0x2c: {  	s7 =	sld [smem:$0x3FB5]  }
0x2d: {  	s3 =	simm.s32 $0x108;
	s8 =	sld [smem:$0x3FB6]  }
0x2e: {  	s3 =	simm.s32 @!p0 $0x1082;
	s9 =	sld [smem:$0x3FB7]  }
0x2f: {  	lr =	sadd.s32 s0, s3;
	s0 =	sld [smem:$0x3FAE]  }
0x30: {  	s3 =	sld [smem:$0x3FB1]  }
0x31: {  	[smem:$0x3FBA] =	sst s10  }
0x32: {  	s10 =	sld [smem:$0x3FB8];
	_ =	sdelay $0x3  }
0x33: {  	p0 =	seq.s32 s10, $0x1;
	s10 =	sld [smem:$0x3FBA];
	_ =	sdelay $0x3  }
0x34: {  	[smem:$0x3FBA] =	sst s10  }
0x35: {  	s10 =	sld [smem:$0x3FB9];
	_ =	sdelay $0x3  }
0x36: {  	p1 =	seq.s32 s10, $0x1;
	s10 =	sld [smem:$0x3FBA];
	_ =	sdelay $0x3  }
0x37: {  	[smem:$0x3FBA] =	sst s10  }
0x38: {  	s10 =	sld [smem:$0x3FBB]  }
0x39: {  	_ = 	snop;
	(pc) =	sbr.ind lr, $3  }
0x3a: {  	_ = 	snop  }
0x3b: {  	_ = 	snop  }
0x3c: {  	p2 =	seq.s32 s10, $0x1;
	s10 =	sld [smem:$0x3FBA]  }
0x3d: {  	_ =	shalt  }
0x3e: {  	_ =	shalt  }
0x3f: {  	_ =	shalt  }
0x40: {  	_ =	shalt  }
0x41: {  	_ =	shalt  }
0x42: {  	_ =	shalt  }
0x43: {  	_ =	shalt  }
0x44: {  	_ =	shalt  }
0x45: {  	_ =	shalt  }
0x46: {  	_ =	shalt  }
0x47: {  	_ =	shalt  }
0x48: {  	_ =	shalt  }
0x49: {  	_ =	shalt  }
0x4a: {  	_ =	shalt  }
0x4b: {  	_ =	shalt  }
0x4c: {  	_ =	shalt  }
0x4d: {  	_ =	shalt  }
0x4e: {  	_ =	shalt  }
0x4f: {  	_ =	shalt  }
0x50: {  	_ =	shalt  }
0x51: {  	_ =	shalt  }
0x52: {  	_ =	shalt  }
0x53: {  	_ =	shalt  }
0x54: {  	_ =	shalt  }
0x55: {  	_ =	shalt  }
0x56: {  	_ =	shalt  }
0x57: {  	_ =	shalt  }
0x58: {  	_ =	shalt  }
0x59: {  	_ =	shalt  }
0x5a: {  	_ =	shalt  }
0x5b: {  	_ =	shalt  }
0x5c: {  	_ =	shalt  }
0x5d: {  	_ =	shalt  }
0x5e: {  	_ =	shalt  }
0x5f: {  	_ =	shalt  }
0x60: {  	_ =	shalt  }
0x61: {  	_ =	shalt  }
0x62: {  	_ =	shalt  }
0x63: {  	_ =	shalt  }
0x64: {  	_ =	shalt  }
0x65: {  	_ =	shalt  }
0x66: {  	_ =	shalt  }
0x67: {  	_ =	shalt  }
0x68: {  	_ =	shalt  }
0x69: {  	_ =	shalt  }
0x6a: {  	_ =	shalt  }
0x6b: {  	_ =	shalt  }
0x6c: {  	_ =	shalt  }
0x6d: {  	_ =	shalt  }
0x6e: {  	_ =	shalt  }
0x6f: {  	_ =	shalt  }
0x70: {  	_ =	shalt  }
0x71: {  	_ =	shalt  }
0x72: {  	_ =	shalt  }
0x73: {  	_ =	shalt  }
0x74: {  	_ =	shalt  }
0x75: {  	_ =	shalt  }
0x76: {  	_ =	shalt  }
0x77: {  	_ =	shalt  }
0x78: {  	_ =	shalt  }
0x79: {  	_ =	shalt  }
0x7a: {  	_ =	shalt  }
0x7b: {  	_ =	shalt  }
0x7c: {  	_ =	shalt  }
0x7d: {  	_ =	shalt  }
0x7e: {  	_ =	shalt  }
0x7f: {  	_ =	shalt  }
0x80: {  	_ =	shalt  }
0x81: {  	_ =	shalt  }
0x82: {  	_ =	shalt  }
0x83: {  	_ =	shalt  }
0x84: {  	_ =	shalt  }
0x85: {  	_ =	shalt  }
0x86: {  	_ =	shalt  }
0x87: {  	_ =	shalt  }
.Lfunc_end0:
.L_simem_size_0:
called_computation_lowered:
.L_overlay_start_0:
0x88: {  	s2 =	sld [smem:$0x3FD9]  }
0x89: {  	s3 =	sld [smem:$0x3FFE];
	_ =	sdelay $0x1  }
0x8a: {  	s1 =	srdreg.scid  }
0x8b: {  	s0 =	sand.u32 $0x1, s1  }
0x8c: {  	s17 =	sshll.u32 s0, $0xA;
	s2 =	sadd.s32 s3, s2  }
0x8d: {  	s2 =	sadd.s32 s2, s17  }
0x8e: {  	[smem:$0x3FC6] =	sst s2  }
0x8f: {  	_ = 	snop  }
0x90: {  	s2 =	sld [smem:$0x3FC9]  }
0x91: {  	s18 =	sld [smem:$0x3FC8];
	(tm) =	ssettm $0x1  }
0x92: {  	s4 =	sld [smem:$0x3FFB];
	_ =	sdelay $0x3  }
0x93: {  	_ =	strace s4  }
0x94: {  	s4 =	sld [smem:$0x3FFC];
	_ =	sdelay $0x3  }
0x95: {  	_ =	strace s4  }
0x96: {  	s4 =	sld [smem:$0x3FFD];
	_ =	sdelay $0x3  }
0x97: {  	_ =	strace s4  }
0x98: {  	_ =	strace $0x8FFFFFFF  }
0x99: {  	s19 =	sld [smem:$0x3FDB];
	_ =	sdelay $0x1  }
0x9a: {  	s5 =	simm.s32 $_scs_section_size  }
0x9b: {  	s6 =	simm.s32 $_size__tile_overlayer_lowered;
	s7 =	simm.s32 $_tile_overlayer_lowered  }
0x9c: {  	s22 =	simm.s32 $0x1BFF;
	s21 =	sshll.u32 s7, $0x1;
	s4 =	sadd.s32 s5, s19  }
0x9d: {  	s8 =	simm.s32 $0x0;
	s20 =	sshll.u32 s6, $0x1;
	s6 =	sadd.s32 s21, s4  }
0x9e: {  	[timem:s8], [sflag:s22] =	dma.local [hbm:s6], s20  }
0x9f: {  	_ =	swait.ge [sflag:s22], s20  }
0xa0: {  	s5 =	ssub.s32 $0x0, s20;
	[sflag:s22] =	ssyncset.done $0x0  }
0xa1: {  	[sflag:s22] =	ssyncadd.s32 s5;
	_ =	sdelay $0x1  }
0xa2: {  	s23 =	simm.s32 $0x1B8B  }
0xa3: {  	_ =	swait.ge [sflag:s23], $0x1  }
0xa4: {  	[sflag:s23] =	ssyncset.done $0x0  }
0xa5: {  	s25 =	simm.s32 $0x1B8E;
	s24 =	sld [smem:$0x3FFE];
	[sflag:s23] =	ssyncadd.s32 $0xFFFFFFFF  }
0xa6: {  	s26 =	simm.s32 $execute0_lowered;
	[smem:$0x3FD2] =	sst s25  }
0xa7: {  	s6 =	sshll.u32 s26, $0x1;
	_ =	strace $0x80000046;
	[dreg:$0x1] =	wrdreg $0xFFFFFFFF  }
0xa8: {  	s28 =	simm.s32 $_size_execute0_lowered;
	s4 =	sadd.s32 s4, s6;
	[dreg:$0x0] =	wrdreg $0x0  }
0xa9: {  	s6 =	sshll.u32 s28, $0x1;
	[dreg:$0x2] =	wrdreg s4  }
0xaa: {  	[dreg:$0x3] =	wrdreg s6  }
0xab: {  	[dreg:$0x4] =	wrdreg $0xC0  }
0xac: {  	_ =	task [dreg:s8], $0x5FFFF  }
0xad: {  	[dreg:$0x1] =	wrdreg $0xFFFFFFFF  }
0xae: {  	[dreg:$0x0] =	wrdreg $0x60  }
0xaf: {  	[dreg:$0x2] =	wrdreg s2  }
0xb0: {  	[dreg:$0x3] =	wrdreg s18  }
0xb1: {  	[dreg:$0x4] =	wrdreg s24  }
0xb2: {  	[dreg:$0x5] =	wrdreg $0x9  }
0xb3: {  	_ =	task.clear_ibuf [dreg:s8], $0x6FFFF;
	_ =	strace $0x90000046  }
0xb4: {  	s29 =	simm.s32 $0x9;
	_ =	strace $0x80000048  }
0xb5: {  	_ =	swait.ge [sflag:s29], $0x1  }
0xb6: {  	[sflag:s29] =	ssyncadd.s32 $0xFFFFFFFF  }
0xb7: {  	_ =	strace $0x90000048  }
0xb8: {  	_ =	sfence  }
0xb9: {  	s30 =	sld [smem:$0x0];
	_ =	sdelay $0x2  }
0xba: {  	s31 =	sshll.u32 s1, $0xD;
	s1 =	sshrl.u32 s1, $0x2  }
0xbb: {  	s3 =	sand.u32 $0x4000, s31;
	s1 =	sadd.s32 s1, s30  }
0xbc: {  	s0 =	sor.u32 s3, s0;
	s1 =	sshll.u32 s1, $0x11  }
0xbd: {  	s0 =	sor.u32 s1, s0  }
0xbe: {  	s0 =	sadd.s32 $0x8F2B, s0  }
0xbf: {  	[sflag:s0] =	ssyncadd.remote.s32 $0x1  }
0xc0: {  	_ =	sfence.sel $0xFFFF  }
0xc1: {  	[dreg:$0x0] =	wrdreg $0xFFFFFFFF;
	(pc) =	sbr.abs _section_cstart, $3  }
0xc2: {  	[dreg:$0x1] =	wrdreg $0xFFFFFFFF  }
0xc3: {  	_ =	task.clear_ibuf [dreg:s8], $0x2FFFF;
	_ =	strace $0x9FFFFFFF  }
0xc4: {  	(tm) =	ssettm $0x7FFFFFFF  }
0xc5: {  	_ =	shalt  }
tec
execute0_lowered:
.L_overlay_start_1:
0x0: {  	(tag) =	ssettag $0x1  }
0x1: {  	s5 =	rddreg [dreg:$0x0]  }
0x2: {  	s6 =	rddreg [dreg:$0x1];
	s1 =	srdreg.scid  }
0x3: {  	s0 =	stileid.u32;
	s7 =	rddreg [dreg:$0x2];
	s12 =	simm.s32 $0x1  }
0x4: {  	s13 =	simm.s32 $0x2;
	s14 =	simm.s32 $0x8000;
	s15 =	simm.s32 $0x3  }
0x5: {  	s16 =	simm.s32 $0x0;
	s3 =	sand.u32 $0x1, s1;
	s2 =	sshll.u32 s0, $0x1  }
0x6: {  	s1 =	rddreg [dreg:$0x3];
	s8 =	sor.u32 s3, s2;
	s2 =	simm.s32 $0x0  }
0x7: {  	s3 =	ssub.s32 $0x2, s3;
	s9 =	sshll.u32 s8, $0xB;
	[smem:$0x7FF] =	sst s2  }
0x8: {  	s4 =	sshrl.u32 s3, $0x1;
	s8 =	sshll.u32 s8, $0x4;
	s10 =	sor.u32 $0x30000, s9  }
0x9: {  	_ =	strace $0x80000047;
	s11 =	ssub.s32 s3, s4;
	s9 =	sor.u32 $0x30400, s9  }
0xa: {  	s7 =	sadd.s32 s7, s8;
	s3 =	sadd.s32 s5, s10;
	s4 =	sadd.s32 s6, s10  }
0xb: {  	s5 =	sadd.s32 s5, s9;
	s6 =	sadd.s32 s6, s9;
	s8 =	smax.u32 s11, $0x1  }
0xc: {  	s9 =	simm.s32 $0x2000;
	s10 =	simm.s32 $0x4000;
	s11 =	simm.s32 $0x6000  }
.LBB2_1:
0xd: {  	[tilespmem:s2], [sflag:$0x1] =	stream.linear.gather [hbm4b:s3+s2], $0x2000, $0x38;
	[tilespmem:$0x8080] =	vst v63  }
0xe: {  	_ = 	snop  }
0xf: {  	[tilespmem:s9], [sflag:$0x1] =	stream.linear.gather [hbm4b:s4+s2], $0x2000, $0x38;
	[tilespmem:$0x8080] =	vst v63  }
0x10: {  	_ = 	snop  }
0x11: {  	[tilespmem:s10], [sflag:$0x2] =	stream.linear.gather [hbm4b:s5+s2], $0x2000, $0x38;
	[tilespmem:$0x8080] =	vst v63  }
0x12: {  	_ = 	snop  }
0x13: {  	[tilespmem:s11], [sflag:$0x2] =	stream.linear.gather [hbm4b:s6+s2], $0x2000, $0x38;
	[tilespmem:$0x8080] =	vst v63  }
0x14: {  	_ =	swait.ge [sflag:s12], $0x2000  }
0x15: {  	[sflag:s12] =	ssyncset.done $0x0  }
0x16: {  	s17 =	simm.s32 $0x0;
	s18 =	sand.u32 $0xC00, s2;
	[sflag:s12] =	ssyncadd.s32 $0xFFFFE000  }
0x17: {  	s19 =	simm.s32 $0x0;
	s17 =	sand.u32 $0x1000, s17;
	_ =	swait.ge [sflag:s12], $0x2000  }
0x18: {  	s29 =	sand.u32 $0x380, s19;
	s17 =	sor.u32 s18, s17;
	[sflag:s12] =	ssyncset.done $0x0  }
0x19: {  	s19 =	sor.u32 s29, s17;
	[sflag:s12] =	ssyncadd.s32 $0xFFFFE000  }
0x1a: {  	v2 =	vld [tilespmem:s19+$0x70]  }
0x1b: {  	v3 =	vld [tilespmem:s19+$0x60]  }
0x1c: {  	v4 =	vld [tilespmem:s19+$0x50]  }
0x1d: {  	v7 =	vld [tilespmem:s19+$0x40]  }
0x1e: {  	v0 =	vld [tilespmem:s19+$0x2070]  }
0x1f: {  	v1 =	vld [tilespmem:s19+$0x2060]  }
0x20: {  	v14 =	vld [tilespmem:s19+$0x2050]  }
0x21: {  	v8 =	vld [tilespmem:s19+$0x30]  }
0x22: {  	v18 =	vld [tilespmem:s19+$0x2040]  }
0x23: {  	v9 =	vld [tilespmem:s19+$0x20]  }
0x24: {  	v17 =	vld [tilespmem:s19+$0x0]  }
0x25: {  	v11 =	vld [tilespmem:s19+$0x10];
	v5 =	vsub.f32 $0.0e+00, v3;
	v6 =	vsub.f32 $0.0e+00, v2  }
0x26: {  	v10 =	vsub.f32 $0.0e+00, v7;
	v12 =	vsub.f32 $0.0e+00, v4;
	v13 =	vmax.f32 v2, $0.0e+00  }
0x27: {  	v19 =	vmul.f32 v0, v2;
	v20 =	vmax.f32 v3, $0.0e+00;
	v21 =	vmul.f32 v1, v3  }
0x28: {  	v22 =	vmax.f32 v4, $0.0e+00;
	v23 =	vsub.f32 $0.0e+00, v8;
	v24 =	vmul.f32 v14, v4  }
0x29: {  	v25 =	vsub.f32 $0.0e+00, v9;
	v26 =	vmul.f32 v18, v7;
	v27 =	vsub.f32 $0.0e+00, v17  }
0x2a: {  	v28 =	vmax.f32 v8, $0.0e+00;
	v30 =	vmax.f32 v11, $0.0e+00;
	v2 =	vmin.f32 v2, v6  }
0x2b: {  	s30 =	simm.s32 $0x80;
	s18 =	simm.s32 $0x400;
	v6 =	vsub.f32 $0.0e+00, v11;
	v3 =	vmin.f32 v3, v5;
	v5 =	vmul.f32 $1.442695020e+00, v2  }
0x2c: {  	s21 =	simm.s32 $0x20;
	s20 =	sand.u32 $0xC00, s18;
	s17 =	sand.u32 $0x1000, s30;
	v15 =	vld [tilespmem:s19+$0x2030];
	v4 =	vmin.f32 v4, v12;
	v10 =	vmin.f32 v7, v10;
	v3 =	vmul.f32 $1.442695020e+00, v3  }
0x2d: {  	s31 =	sand.u32 $0x380, s21;
	s17 =	sor.u32 s20, s17;
	v16 =	vld [tilespmem:s19+$0x2010];
	v23 =	vmin.f32 v8, v23;
	v12 =	vmul.f32 $1.442695020e+00, v4;
	(erf) = vpow2.f32 v5  }
0x2e: {  	s17 =	sor.u32 s31, s17;
	v25 =	vmin.f32 v9, v25;
	v2 =	vld [tilespmem:s19+$0x2020];
	v10 =	vmul.f32 $1.442695020e+00, v10;
	(erf) = vpow2.f32 v3  }
0x2f: {  	v20 =	vsub.f32 v20, v21;
	v4 =	vld [tilespmem:s17+$0x60];
	v23 =	vmul.f32 $1.442695020e+00, v23;
	(erf) = vpow2.f32 v12  }
0x30: {  	v25 =	vmul.f32 $1.442695020e+00, v25;
	v5 =	vld [tilespmem:s17+$0x70];
	v12 =	vmin.f32 v11, v6;
	(erf) = vpow2.f32 v10  }
0x31: {  	v3 =	vld [tilespmem:s17+$0x50];
	v10 =	vmin.f32 v17, v27;
	v12 =	vmul.f32 $1.442695020e+00, v12;
	(erf) = vpow2.f32 v23  }
0x32: {  	v33 =	vsub.f32 v13, v19;
	v6 =	vld [tilespmem:s17+$0x40];
	v10 =	vmul.f32 $1.442695020e+00, v10;
	(erf) = vpow2.f32 v25  }
0x33: {  	v21 =	vsub.f32 v22, v24;
	v27 =	vmul.f32 v15, v8;
	v25 =	vld [tilespmem:s19+$0x2000];
	(erf) = vpow2.f32 v12  }
0x34: {  	v11 =	vmul.f32 v16, v11;
	v23 =	vmax.f32 v7, $0.0e+00;
	(erf) = vpow2.f32 v10  }
0x35: {  	v29 =	vmax.f32 v9, $0.0e+00;
	v19 =	vsub.f32 v23, v26;
	v23 =	vsub.f32 v28, v27  }
0x36: {  	v27 =	vsub.f32 v30, v11;
	v12 =	vmul.f32 v2, v9;
	v9 =	vsub.f32 $0.0e+00, v4;
	v31 =	vpop (erf)  }
0x37: {  	v32 =	vmax.f32 v17, $0.0e+00;
	v8 =	vsub.f32 $0.0e+00, v3;
	v10 =	vsub.f32 $0.0e+00, v5;
	v13 =	vpop (erf)  }
0x38: {  	v7 =	vsub.f32 $0.0e+00, v6;
	v17 =	vmul.f32 v25, v17;
	v24 =	vmul.f32 $5.545931310e-02, v31;
	v22 =	vpop (erf)  }
0x39: {  	v12 =	vsub.f32 v29, v12;
	v28 =	vmul.f32 $5.545931310e-02, v13;
	v26 =	vpop (erf);
	v11 =	vmul.f32 $5.545931310e-02, v22  }
0x3a: {  	v17 =	vsub.f32 v32, v17;
	v24 =	vsub.f32 $2.186654810e-01, v24;
	v29 =	vpop (erf);
	v57 =	vmul.f32 $5.545931310e-02, v26  }
0x3b: {  	v28 =	vsub.f32 $2.186654810e-01, v28;
	v56 =	vmul.f32 $5.545931310e-02, v29;
	v34 =	vpop (erf);
	v11 =	vsub.f32 $2.186654810e-01, v11  }
0x3c: {  	v24 =	vmul.f32 v24, v31;
	v35 =	vmul.f32 $5.545931310e-02, v34;
	v36 =	vpop (erf);
	v32 =	vsub.f32 $2.186654810e-01, v57  }
0x3d: {  	v28 =	vmul.f32 v28, v13;
	v37 =	vmul.f32 $5.545931310e-02, v36;
	v38 =	vpop (erf);
	v30 =	vsub.f32 $2.186654810e-01, v56  }
0x3e: {  	v11 =	vmul.f32 v11, v22;
	v24 =	vadd.f32 $-4.664424360e-01, v24;
	v39 =	vmul.f32 $5.545931310e-02, v38  }
0x3f: {  	v35 =	vsub.f32 $2.186654810e-01, v35;
	v32 =	vmul.f32 v32, v26;
	v28 =	vadd.f32 $-4.664424360e-01, v28  }
0x40: {  	v37 =	vsub.f32 $2.186654810e-01, v37;
	v30 =	vmul.f32 v30, v29;
	v39 =	vsub.f32 $2.186654810e-01, v39  }
0x41: {  	v11 =	vadd.f32 $-4.664424360e-01, v11;
	v24 =	vmul.f32 v24, v31;
	v35 =	vmul.f32 v35, v34  }
0x42: {  	v32 =	vadd.f32 $-4.664424360e-01, v32;
	v28 =	vmul.f32 v28, v13;
	v39 =	vmul.f32 v39, v38  }
0x43: {  	v37 =	vmul.f32 v37, v36;
	v30 =	vadd.f32 $-4.664424360e-01, v30;
	v24 =	vadd.f32 $9.962619540e-01, v24  }
0x44: {  	v11 =	vmul.f32 v11, v22;
	v35 =	vadd.f32 $-4.664424360e-01, v35;
	v39 =	vadd.f32 $-4.664424360e-01, v39  }
0x45: {  	v32 =	vmul.f32 v32, v26;
	v28 =	vadd.f32 $9.962619540e-01, v28;
	v37 =	vadd.f32 $-4.664424360e-01, v37  }
0x46: {  	v30 =	vmul.f32 v30, v29;
	v11 =	vadd.f32 $9.962619540e-01, v11;
	v39 =	vmul.f32 v39, v38  }
0x47: {  	v24 =	vmul.f32 v24, v31;
	v35 =	vmul.f32 v35, v34;
	v32 =	vadd.f32 $9.962619540e-01, v32  }
0x48: {  	v13 =	vmul.f32 v28, v13;
	v37 =	vmul.f32 v37, v36;
	v39 =	vadd.f32 $9.962619540e-01, v39  }
0x49: {  	v30 =	vadd.f32 $9.962619540e-01, v30;
	v11 =	vmul.f32 v11, v22;
	v28 =	vadd.f32 $9.962619540e-01, v35  }
0x4a: {  	v60 =	vadd.f32 $6.944574120e-05, v24;
	v37 =	vadd.f32 $9.962619540e-01, v37;
	v58 =	vmul.f32 v39, v38  }
0x4b: {  	v26 =	vmul.f32 v32, v26;
	v61 =	vadd.f32 $6.944574120e-05, v13;
	v24 =	vmul.f32 v28, v34  }
0x4c: {  	v28 =	vadd.f32 $6.944574120e-05, v11;
	v59 =	vmul.f32 v37, v36;
	v22 =	vadd.f32 $6.944574120e-05, v58  }
0x4d: {  	v26 =	vadd.f32 $6.944574120e-05, v26;
	v24 =	vadd.f32 $6.944574120e-05, v24  }
0x4e: {  	v13 =	vadd.f32 v22, v17;
	v17 =	vadd.f32 $6.944574120e-05, v59  }
0x4f: {  	v19 =	vadd.f32 v26, v19;
	v24 =	vadd.f32 v24, v12;
	v22 =	vmul.f32 v30, v29  }
0x50: {  	v11 =	vld [tilespmem:s17+$0x2070];
	v29 =	vimm.f32 $0.0e+00;
	v62 =	vmul.f32 v13, v25;
	v17 =	vadd.f32 v17, v27  }
0x51: {  	v22 =	vadd.f32 $6.944574120e-05, v22;
	v27 =	vadd.f32 v13, v29  }
0x52: {  	v25 =	vadd.f32 v25, v29;
	v30 =	vadd.f32 v62, v29;
	v29 =	vmul.f32 v17, v16  }
0x53: {  	v17 =	vadd.f32 v17, v27;
	v22 =	vadd.f32 v22, v23  }
0x54: {  	v12 =	vld [tilespmem:s17+$0x2060];
	v25 =	vadd.f32 v16, v25;
	v27 =	vmul.f32 v24, v2;
	v23 =	vadd.f32 v29, v30  }
0x55: {  	v13 =	vmax.f32 v5, $0.0e+00;
	v16 =	vmul.f32 v11, v5;
	v24 =	vadd.f32 v24, v17  }
0x56: {  	v25 =	vadd.f32 v2, v25;
	v26 =	vmul.f32 v22, v15;
	v23 =	vadd.f32 v27, v23  }
0x57: {  	v17 =	vmax.f32 v4, $0.0e+00;
	v2 =	vld [tilespmem:s17+$0x2050];
	v22 =	vadd.f32 v22, v24;
	v27 =	vadd.f32 v28, v21  }
0x58: {  	v25 =	vadd.f32 v15, v25;
	v24 =	vld [tilespmem:s17+$0x30];
	v23 =	vadd.f32 v26, v23;
	v26 =	vmul.f32 v19, v18  }
0x59: {  	v21 =	vmul.f32 v12, v4;
	v15 =	vld [tilespmem:s17+$0x2040];
	v22 =	vadd.f32 v19, v22;
	v19 =	vadd.f32 v61, v20  }
0x5a: {  	v29 =	vadd.f32 v18, v25;
	v63 =	vmul.f32 v27, v14;
	v28 =	vadd.f32 v26, v23;
	v26 =	vld [tilespmem:s17+$0x20]  }
0x5b: {  	v18 =	vadd.f32 v60, v33;
	v23 =	vmax.f32 v3, $0.0e+00;
	v20 =	vadd.f32 v27, v22  }
0x5c: {  	s19 =	simm.s32 $0x2;
	v25 =	vld [tilespmem:s17+$0x10];
	v14 =	vadd.f32 v14, v29;
	v27 =	vmul.f32 v19, v1;
	v22 =	vadd.f32 v63, v28  }
.LBB2_2:
0x5d: {  	p0 =	sne.s32 s19, $0x3F;
	v28 =	vld [tilespmem:s17+$0x0];
	v29 =	vsub.f32 $0.0e+00, v24;
	v30 =	vmul.f32 v2, v3;
	v19 =	vadd.f32 v19, v20  }
0x5e: {  	v20 =	vadd.f32 v27, v22;
	v22 =	vadd.f32 v1, v14;
	v27 =	vmul.f32 v18, v0;
	v1 =	vmovc v12  }
0x5f: {  	v32 =	vmul.f32 v15, v6;
	v14 =	vmovc v15;
	v31 =	vsub.f32 $0.0e+00, v26;
	v12 =	vadd.f32 v18, v19  }
0x60: {  	s20 =	sshll.u32 s19, $0x7;
	v5 =	vmin.f32 v5, v10;
	s18 =	sadd.s32 $0x400, s18;
	v19 =	vadd.f32 v27, v20;
	v20 =	vadd.f32 v0, v22;
	v0 =	vmovc v11  }
0x61: {  	s22 =	sshll.u32 s19, $0x5;
	v4 =	vmin.f32 v4, v9;
	s21 =	sand.u32 $0xC00, s18;
	s20 =	sand.u32 $0x1000, s20;
	v5 =	vmul.f32 $1.442695020e+00, v5;
	v10 =	vsub.f32 $0.0e+00, v25;
	v15 =	vld [tilespmem:s17+$0x2030]  }
0x62: {  	v3 =	vmin.f32 v3, v8;
	v4 =	vmul.f32 $1.442695020e+00, v4;
	s20 =	sor.u32 s21, s20;
	s21 =	sand.u32 $0x380, s22;
	v9 =	vsub.f32 $0.0e+00, v28;
	v18 =	vld [tilespmem:s17+$0x2020]  }
0x63: {  	v7 =	vmin.f32 v6, v7;
	v3 =	vmul.f32 $1.442695020e+00, v3;
	s20 =	sor.u32 s21, s20;
	v22 =	vld [tilespmem:s17+$0x2010];
	(erf) = vpow2.f32 v5  }
0x64: {  	v7 =	vmul.f32 $1.442695020e+00, v7;
	v8 =	vmin.f32 v24, v29;
	v5 =	vld [tilespmem:s20+$0x70];
	(erf) = vpow2.f32 v4  }
0x65: {  	v8 =	vmul.f32 $1.442695020e+00, v8;
	v11 =	vmin.f32 v26, v31;
	v4 =	vld [tilespmem:s20+$0x60];
	(erf) = vpow2.f32 v3  }
0x66: {  	v11 =	vmul.f32 $1.442695020e+00, v11;
	v10 =	vmin.f32 v25, v10;
	v3 =	vld [tilespmem:s20+$0x50];
	(erf) = vpow2.f32 v7  }
0x67: {  	v7 =	vmin.f32 v28, v9;
	v9 =	vmul.f32 $1.442695020e+00, v10;
	v29 =	vld [tilespmem:s20+$0x40];
	(erf) = vpow2.f32 v8  }
0x68: {  	v6 =	vmax.f32 v6, $0.0e+00;
	v7 =	vmul.f32 $1.442695020e+00, v7;
	(erf) = vpow2.f32 v11  }
0x69: {  	v11 =	vmul.f32 v15, v24;
	v24 =	vmax.f32 v24, $0.0e+00;
	v27 =	vld [tilespmem:s17+$0x2000];
	(erf) = vpow2.f32 v9;
	s17 =	smov.u32 s20  }
0x6a: {  	v33 =	vmax.f32 v26, $0.0e+00;
	v31 =	vmul.f32 v18, v26;
	(erf) = vpow2.f32 v7  }
0x6b: {  	v34 =	vmax.f32 v25, $0.0e+00;
	v10 =	vsub.f32 $0.0e+00, v5;
	v9 =	vsub.f32 $0.0e+00, v4  }
0x6c: {  	v35 =	vmul.f32 v22, v25;
	v8 =	vsub.f32 $0.0e+00, v3;
	v7 =	vsub.f32 $0.0e+00, v29;
	v36 =	vpop (erf)  }
0x6d: {  	v37 =	vmax.f32 v28, $0.0e+00;
	v26 =	vsub.f32 v17, v21;
	v25 =	vsub.f32 v13, v16;
	v13 =	vpop (erf)  }
0x6e: {  	v17 =	vsub.f32 v6, v32;
	v21 =	vsub.f32 v23, v30;
	v16 =	vmul.f32 v27, v28;
	v23 =	vpop (erf)  }
0x6f: {  	v24 =	vsub.f32 v24, v11;
	v6 =	vmul.f32 $5.545931310e-02, v36;
	v28 =	vsub.f32 v33, v31;
	v11 =	vpop (erf)  }
0x70: {  	v30 =	vsub.f32 v34, v35;
	v32 =	vmul.f32 $5.545931310e-02, v13;
	v31 =	vmul.f32 $5.545931310e-02, v23;
	v33 =	vpop (erf)  }
0x71: {  	v16 =	vsub.f32 v37, v16;
	v35 =	vmul.f32 $5.545931310e-02, v11;
	v34 =	vmul.f32 $5.545931310e-02, v33;
	v37 =	vpop (erf)  }
0x72: {  	v39 =	vsub.f32 $2.186654810e-01, v6;
	v32 =	vsub.f32 $2.186654810e-01, v32;
	v38 =	vmul.f32 $5.545931310e-02, v37;
	v40 =	vpop (erf)  }
0x73: {  	v31 =	vsub.f32 $2.186654810e-01, v31;
	v35 =	vsub.f32 $2.186654810e-01, v35;
	v41 =	vmul.f32 $5.545931310e-02, v40;
	v42 =	vpop (erf)  }
0x74: {  	v6 =	vmovc v29;
	v34 =	vsub.f32 $2.186654810e-01, v34;
	v43 =	vmul.f32 $5.545931310e-02, v42;
	v38 =	vsub.f32 $2.186654810e-01, v38  }
0x75: {  	v39 =	vmul.f32 v39, v36;
	v32 =	vmul.f32 v32, v13;
	v29 =	vsub.f32 $2.186654810e-01, v41  }
0x76: {  	v31 =	vmul.f32 v31, v23;
	v35 =	vmul.f32 v35, v11;
	v41 =	vsub.f32 $2.186654810e-01, v43  }
0x77: {  	v39 =	vadd.f32 $-4.664424360e-01, v39;
	v34 =	vmul.f32 v34, v33;
	v38 =	vmul.f32 v38, v37  }
0x78: {  	v32 =	vadd.f32 $-4.664424360e-01, v32;
	v31 =	vadd.f32 $-4.664424360e-01, v31;
	v41 =	vmul.f32 v41, v42  }
0x79: {  	v35 =	vadd.f32 $-4.664424360e-01, v35;
	v29 =	vmul.f32 v29, v40;
	v34 =	vadd.f32 $-4.664424360e-01, v34  }
0x7a: {  	v39 =	vmul.f32 v39, v36;
	v32 =	vmul.f32 v32, v13;
	v41 =	vadd.f32 $-4.664424360e-01, v41  }
0x7b: {  	v31 =	vmul.f32 v31, v23;
	v38 =	vadd.f32 $-4.664424360e-01, v38;
	v35 =	vmul.f32 v35, v11  }
0x7c: {  	v29 =	vadd.f32 $-4.664424360e-01, v29;
	v34 =	vmul.f32 v34, v33;
	v41 =	vmul.f32 v41, v42  }
0x7d: {  	v39 =	vadd.f32 $9.962619540e-01, v39;
	v32 =	vadd.f32 $9.962619540e-01, v32;
	v38 =	vmul.f32 v38, v37  }
0x7e: {  	v31 =	vadd.f32 $9.962619540e-01, v31;
	v29 =	vmul.f32 v29, v40;
	v41 =	vadd.f32 $9.962619540e-01, v41  }
0x7f: {  	v36 =	vmul.f32 v39, v36;
	v35 =	vadd.f32 $9.962619540e-01, v35;
	v34 =	vadd.f32 $9.962619540e-01, v34  }
0x80: {  	v13 =	vmul.f32 v32, v13;
	v29 =	vadd.f32 $9.962619540e-01, v29;
	v39 =	vmul.f32 v41, v42  }
0x81: {  	v23 =	vmul.f32 v31, v23;
	v32 =	vadd.f32 $9.962619540e-01, v38;
	v11 =	vmul.f32 v35, v11  }
0x82: {  	v35 =	vadd.f32 $6.944574120e-05, v36;
	v29 =	vmul.f32 v29, v40;
	v31 =	vadd.f32 $6.944574120e-05, v39  }
0x83: {  	v36 =	vadd.f32 $6.944574120e-05, v13;
	v23 =	vadd.f32 $6.944574120e-05, v23;
	v32 =	vmul.f32 v32, v37  }
0x84: {  	v13 =	vadd.f32 v31, v16;
	v16 =	vadd.f32 $6.944574120e-05, v29;
	v29 =	vmul.f32 v34, v33  }
0x85: {  	v31 =	vadd.f32 $6.944574120e-05, v32;
	v32 =	vadd.f32 $6.944574120e-05, v11  }
0x86: {  	v11 =	vld [tilespmem:s17+$0x2070];
	v33 =	vmul.f32 v13, v27;
	v16 =	vadd.f32 v16, v30;
	v29 =	vadd.f32 $6.944574120e-05, v29  }
0x87: {  	v12 =	vadd.f32 v13, v12;
	v28 =	vadd.f32 v31, v28  }
0x88: {  	v20 =	vadd.f32 v27, v20;
	v19 =	vadd.f32 v33, v19;
	v27 =	vmul.f32 v16, v22  }
0x89: {  	v13 =	vmax.f32 v5, $0.0e+00;
	v30 =	vadd.f32 v16, v12;
	v24 =	vadd.f32 v29, v24  }
0x8a: {  	v20 =	vadd.f32 v22, v20;
	v22 =	vmul.f32 v28, v18;
	v12 =	vld [tilespmem:s17+$0x2060];
	v19 =	vadd.f32 v27, v19  }
0x8b: {  	v27 =	vadd.f32 v28, v30;
	v28 =	vadd.f32 v32, v17;
	v16 =	vmul.f32 v11, v5  }
0x8c: {  	v18 =	vadd.f32 v18, v20;
	v20 =	vmul.f32 v24, v15;
	v19 =	vadd.f32 v22, v19  }
0x8d: {  	v17 =	vmax.f32 v4, $0.0e+00;
	v22 =	vadd.f32 v24, v27;
	v27 =	vadd.f32 v23, v21;
	v29 =	vld [tilespmem:s17+$0x2050]  }
.Ltmp0:
0x8e: {  	v18 =	vadd.f32 v15, v18;
	v23 =	vmul.f32 v28, v14;
	v24 =	vld [tilespmem:s17+$0x30];
	v20 =	vadd.f32 v20, v19;
	(pc) =	sbr.rel @p0 .LBB2_2-.Ltmp0, $4  }
0x8f: {  	v22 =	vadd.f32 v28, v22;
	v19 =	vadd.f32 v36, v26;
	v15 =	vld [tilespmem:s17+$0x2040];
	v21 =	vmul.f32 v12, v4  }
0x90: {  	v14 =	vadd.f32 v14, v18;
	v30 =	vmul.f32 v27, v2;
	v26 =	vld [tilespmem:s17+$0x20];
	v28 =	vadd.f32 v23, v20  }
0x91: {  	v18 =	vadd.f32 v35, v25;
	v23 =	vmax.f32 v3, $0.0e+00;
	v20 =	vadd.f32 v27, v22  }
0x92: {  	s19 =	sadd.s32 $0x1, s19;
	v14 =	vadd.f32 v2, v14;
	v27 =	vmul.f32 v19, v1;
	v25 =	vld [tilespmem:s17+$0x10];
	v22 =	vadd.f32 v30, v28;
	v2 =	vmovc v29  }
0x93: {  	v29 =	vsub.f32 $0.0e+00, v24;
	v30 =	vmul.f32 v2, v3  }
0x94: {  	v19 =	vadd.f32 v19, v20;
	v5 =	vmin.f32 v5, v10;
	v4 =	vmin.f32 v4, v9  }
0x95: {  	v28 =	vld [tilespmem:s17+$0x0];
	v3 =	vmin.f32 v3, v8;
	v20 =	vadd.f32 v27, v22;
	v22 =	vmul.f32 v18, v0  }
0x96: {  	v7 =	vmin.f32 v6, v7;
	v5 =	vmul.f32 $1.442695020e+00, v5;
	v4 =	vmul.f32 $1.442695020e+00, v4  }
0x97: {  	v8 =	vmul.f32 $1.442695020e+00, v3;
	v7 =	vmul.f32 $1.442695020e+00, v7;
	v27 =	vsub.f32 $0.0e+00, v26  }
0x98: {  	v1 =	vadd.f32 v1, v14;
	(erf) = vpow2.f32 v5;
	v5 =	vmin.f32 v24, v29  }
0x99: {  	v10 =	vsub.f32 $0.0e+00, v25;
	(erf) = vpow2.f32 v4;
	v27 =	vmin.f32 v26, v27  }
0x9a: {  	v5 =	vmul.f32 $1.442695020e+00, v5;
	v9 =	vsub.f32 $0.0e+00, v28;
	(erf) = vpow2.f32 v8  }
0x9b: {  	v8 =	vmin.f32 v25, v10;
	v10 =	vmul.f32 $1.442695020e+00, v27;
	(erf) = vpow2.f32 v7  }
0x9c: {  	v14 =	vld [tilespmem:s17+$0x2000];
	v9 =	vmin.f32 v28, v9;
	v8 =	vmul.f32 $1.442695020e+00, v8;
	(erf) = vpow2.f32 v5  }
0x9d: {  	v4 =	vld [tilespmem:s17+$0x2020];
	v5 =	vmul.f32 $1.442695020e+00, v9;
	(erf) = vpow2.f32 v10  }
0x9e: {  	v17 =	vsub.f32 v17, v21;
	v13 =	vsub.f32 v13, v16;
	v7 =	vld [tilespmem:s17+$0x2010];
	(erf) = vpow2.f32 v8  }
0x9f: {  	v31 =	vmul.f32 v15, v6;
	v3 =	vld [tilespmem:s17+$0x2030];
	v23 =	vsub.f32 v23, v30;
	(erf) = vpow2.f32 v5  }
0xa0: {  	v0 =	vadd.f32 v0, v1;
	v1 =	vmax.f32 v6, $0.0e+00;
	v6 =	vmax.f32 v24, $0.0e+00  }
0xa1: {  	v9 =	vadd.f32 v18, v19;
	v10 =	vadd.f32 v22, v20;
	v18 =	vmax.f32 v26, $0.0e+00;
	v22 =	vpop (erf)  }
0xa2: {  	v1 =	vsub.f32 v1, v31;
	v21 =	vmul.f32 v14, v28;
	v8 =	vmul.f32 v4, v26;
	v16 =	vpop (erf)  }
0xa3: {  	v0 =	vadd.f32 v14, v0;
	v19 =	vmax.f32 v25, $0.0e+00;
	v20 =	vmul.f32 v7, v25;
	v25 =	vpop (erf)  }
0xa4: {  	v5 =	vmul.f32 v3, v24;
	v24 =	vmax.f32 v28, $0.0e+00;
	v8 =	vsub.f32 v18, v8;
	v18 =	vpop (erf)  }
0xa5: {  	v21 =	vsub.f32 v24, v21;
	v0 =	vadd.f32 v7, v0;
	v27 =	vpop (erf)  }
0xa6: {  	v5 =	vsub.f32 v6, v5;
	v6 =	vmul.f32 $5.545931310e-02, v22;
	v26 =	vmul.f32 $5.545931310e-02, v16;
	v29 =	vpop (erf)  }
0xa7: {  	v19 =	vsub.f32 v19, v20;
	v0 =	vadd.f32 v4, v0;
	v20 =	vmul.f32 $5.545931310e-02, v25;
	v46 =	vpop (erf)  }
0xa8: {  	v6 =	vsub.f32 $2.186654810e-01, v6;
	v28 =	vmul.f32 $5.545931310e-02, v18;
	v26 =	vsub.f32 $2.186654810e-01, v26;
	v33 =	vpop (erf)  }
0xa9: {  	v24 =	vmul.f32 $5.545931310e-02, v27;
	v20 =	vsub.f32 $2.186654810e-01, v20;
	v34 =	vmul.f32 $5.545931310e-02, v33  }
0xaa: {  	v6 =	vmul.f32 v6, v22;
	v45 =	vmul.f32 $5.545931310e-02, v29;
	v28 =	vsub.f32 $2.186654810e-01, v28  }
0xab: {  	v26 =	vmul.f32 v26, v16;
	v32 =	vmul.f32 $5.545931310e-02, v46;
	v34 =	vsub.f32 $2.186654810e-01, v34  }
0xac: {  	v24 =	vsub.f32 $2.186654810e-01, v24;
	v20 =	vmul.f32 v20, v25;
	v6 =	vadd.f32 $-4.664424360e-01, v6  }
0xad: {  	v30 =	vsub.f32 $2.186654810e-01, v45;
	v32 =	vsub.f32 $2.186654810e-01, v32;
	v34 =	vmul.f32 v34, v33  }
0xae: {  	v28 =	vmul.f32 v28, v18;
	v26 =	vadd.f32 $-4.664424360e-01, v26;
	v24 =	vmul.f32 v24, v27  }
0xaf: {  	v6 =	vmul.f32 v6, v22;
	v32 =	vmul.f32 v32, v46;
	v34 =	vadd.f32 $-4.664424360e-01, v34  }
0xb0: {  	v20 =	vadd.f32 $-4.664424360e-01, v20;
	v30 =	vmul.f32 v30, v29;
	v26 =	vmul.f32 v26, v16  }
0xb1: {  	v24 =	vadd.f32 $-4.664424360e-01, v24;
	v32 =	vadd.f32 $-4.664424360e-01, v32;
	v34 =	vmul.f32 v34, v33  }
0xb2: {  	v20 =	vmul.f32 v20, v25;
	v6 =	vadd.f32 $9.962619540e-01, v6;
	v30 =	vadd.f32 $-4.664424360e-01, v30  }
0xb3: {  	v26 =	vadd.f32 $9.962619540e-01, v26;
	v32 =	vmul.f32 v32, v46;
	v34 =	vadd.f32 $9.962619540e-01, v34  }
0xb4: {  	v24 =	vmul.f32 v24, v27;
	v20 =	vadd.f32 $9.962619540e-01, v20;
	v6 =	vmul.f32 v6, v22  }
0xb5: {  	v30 =	vmul.f32 v30, v29;
	v32 =	vadd.f32 $9.962619540e-01, v32;
	v22 =	vmul.f32 v34, v33  }
0xb6: {  	v28 =	vadd.f32 $-4.664424360e-01, v28;
	v16 =	vmul.f32 v26, v16;
	v20 =	vmul.f32 v20, v25  }
0xb7: {  	v26 =	vadd.f32 $9.962619540e-01, v30;
	v25 =	vmul.f32 v32, v46;
	v22 =	vadd.f32 $6.944574120e-05, v22  }
0xb8: {  	v0 =	vadd.f32 v3, v0;
	v28 =	vmul.f32 v28, v18;
	v24 =	vadd.f32 $9.962619540e-01, v24  }
0xb9: {  	v26 =	vmul.f32 v26, v29;
	v21 =	vadd.f32 v22, v21;
	v22 =	vadd.f32 $6.944574120e-05, v25  }
0xba: {  	_ =	swait.ge [sflag:s13], $0x2000;
	v28 =	vadd.f32 $9.962619540e-01, v28;
	v6 =	vadd.f32 $6.944574120e-05, v6;
	v24 =	vmul.f32 v24, v27  }
0xbb: {  	s28 =	simm.s32 $0x0;
	[sflag:s13] =	ssyncset.done $0x0;
	v25 =	vadd.f32 $6.944574120e-05, v26;
	v26 =	vmul.f32 v21, v14;
	v19 =	vadd.f32 v22, v19  }
0xbc: {  	s18 =	simm.s32 $0x0;
	s19 =	simm.s32 $0x0;
	[sflag:s13] =	ssyncadd.s32 $0xFFFFE000;
	v18 =	vmul.f32 v28, v18;
	v22 =	vadd.f32 $6.944574120e-05, v24;
	v9 =	vadd.f32 v21, v9  }
0xbd: {  	s18 =	sand.u32 $0x1000, s18;
	s17 =	sand.u32 $0xC00, s28;
	_ =	swait.ge [sflag:s13], $0x2000;
	v8 =	vadd.f32 v25, v8;
	v10 =	vadd.f32 v26, v10;
	v14 =	vmul.f32 v19, v7  }
0xbe: {  	s29 =	sand.u32 $0x380, s19;
	s17 =	sor.u32 s17, s18;
	[sflag:s13] =	ssyncset.done $0x0;
	v18 =	vadd.f32 $6.944574120e-05, v18;
	v9 =	vadd.f32 v19, v9  }
0xbf: {  	s19 =	sor.u32 s29, s17;
	[sflag:s13] =	ssyncadd.s32 $0xFFFFE000;
	v5 =	vadd.f32 v22, v5;
	v7 =	vmul.f32 v8, v4;
	v10 =	vadd.f32 v14, v10  }
0xc0: {  	v1 =	vadd.f32 v18, v1;
	v18 =	vld [tilespmem:s19+$0x6040];
	v8 =	vadd.f32 v8, v9  }
0xc1: {  	v20 =	vadd.f32 $6.944574120e-05, v20;
	v19 =	vld [tilespmem:s19+$0x4040];
	v4 =	vmul.f32 v5, v3;
	v7 =	vadd.f32 v7, v10  }
0xc2: {  	v16 =	vadd.f32 $6.944574120e-05, v16;
	v9 =	vld [tilespmem:s19+$0x4070];
	v5 =	vadd.f32 v5, v8  }
0xc3: {  	v3 =	vmul.f32 v1, v15;
	v8 =	vadd.f32 v20, v23;
	v20 =	vld [tilespmem:s19+$0x4030];
	v4 =	vadd.f32 v4, v7  }
0xc4: {  	v1 =	vadd.f32 v1, v5;
	v5 =	vadd.f32 v16, v17  }
0xc5: {  	v10 =	vld [tilespmem:s19+$0x4050];
	v14 =	vmul.f32 v8, v2;
	v3 =	vadd.f32 v3, v4;
	v4 =	vadd.f32 v15, v0  }
0xc6: {  	v6 =	vadd.f32 v6, v13;
	v47 =	vmul.f32 v18, v19;
	v7 =	vld [tilespmem:s19+$0x4060];
	v8 =	vadd.f32 v8, v1  }
0xc7: {  	v3 =	vadd.f32 v14, v3;
	v2 =	vadd.f32 v2, v4;
	v4 =	vmul.f32 v5, v12  }
0xc8: {  	v21 =	vmax.f32 v9, $0.0e+00;
	v0 =	vld [tilespmem:s19+$0x6070];
	v27 =	vsub.f32 $0.0e+00, v20;
	v5 =	vadd.f32 v5, v8  }
0xc9: {  	v1 =	vld [tilespmem:s19+$0x6060];
	v8 =	vmul.f32 v6, v11;
	v3 =	vadd.f32 v4, v3;
	v4 =	vadd.f32 v12, v2  }
0xca: {  	v26 =	vmax.f32 v10, $0.0e+00;
	v14 =	vld [tilespmem:s19+$0x6050];
	v2 =	vadd.f32 v6, v5;
	v5 =	vsub.f32 $0.0e+00, v19  }
0xcb: {  	v24 =	vmax.f32 v7, $0.0e+00;
	v6 =	vsub.f32 $0.0e+00, v10;
	v12 =	vadd.f32 v8, v3  }
0xcc: {  	v27 =	vmin.f32 v20, v27;
	v13 =	vadd.f32 v11, v4;
	v8 =	vld [tilespmem:s19+$0x4020];
	v4 =	vsub.f32 $0.0e+00, v9  }
0xcd: {  	v27 =	vmul.f32 $1.442695020e+00, v27;
	v23 =	vmul.f32 v0, v9;
	v3 =	vsub.f32 $0.0e+00, v7;
	v11 =	vld [tilespmem:s19+$0x4010]  }
0xce: {  	v22 =	vld [tilespmem:s19+$0x4000];
	v25 =	vmul.f32 v1, v7;
	v6 =	vmin.f32 v10, v6;
	v4 =	vmin.f32 v9, v4  }
0xcf: {  	v28 =	vmul.f32 v14, v10;
	v3 =	vmin.f32 v7, v3;
	v4 =	vmul.f32 $1.442695020e+00, v4  }
0xd0: {  	v10 =	vmin.f32 v19, v5;
	v6 =	vmul.f32 $1.442695020e+00, v6;
	v3 =	vmul.f32 $1.442695020e+00, v3  }
0xd1: {  	s30 =	simm.s32 $0x80;
	s18 =	simm.s32 $0x400;
	v19 =	vmax.f32 v19, $0.0e+00;
	v29 =	vsub.f32 $0.0e+00, v8;
	(erf) = vpow2.f32 v4  }
0xd2: {  	s21 =	simm.s32 $0x20;
	s20 =	sand.u32 $0xC00, s18;
	s17 =	sand.u32 $0x1000, s30;
	v16 =	vld [tilespmem:s19+$0x6030];
	v10 =	vmul.f32 $1.442695020e+00, v10;
	v9 =	vsub.f32 $0.0e+00, v11;
	(erf) = vpow2.f32 v3  }
0xd3: {  	s31 =	sand.u32 $0x380, s21;
	s17 =	sor.u32 s20, s17;
	v17 =	vld [tilespmem:s19+$0x6020];
	v7 =	vsub.f32 $0.0e+00, v22;
	v29 =	vmin.f32 v8, v29;
	(erf) = vpow2.f32 v6  }
0xd4: {  	s17 =	sor.u32 s31, s17;
	v15 =	vld [tilespmem:s19+$0x6010];
	v9 =	vmin.f32 v11, v9;
	v29 =	vmul.f32 $1.442695020e+00, v29;
	(erf) = vpow2.f32 v10  }
0xd5: {  	v5 =	vld [tilespmem:s17+$0x4070];
	v7 =	vmin.f32 v22, v7;
	v9 =	vmul.f32 $1.442695020e+00, v9;
	(erf) = vpow2.f32 v27  }
0xd6: {  	v25 =	vsub.f32 v24, v25;
	v4 =	vld [tilespmem:s17+$0x4060];
	v7 =	vmul.f32 $1.442695020e+00, v7;
	(erf) = vpow2.f32 v29  }
0xd7: {  	v36 =	vsub.f32 v21, v23;
	v19 =	vsub.f32 v19, v47;
	v3 =	vld [tilespmem:s17+$0x4050];
	(erf) = vpow2.f32 v9  }
0xd8: {  	v48 =	vmul.f32 v17, v8;
	v49 =	vmax.f32 v8, $0.0e+00;
	v27 =	vld [tilespmem:s19+$0x6000];
	(erf) = vpow2.f32 v7  }
0xd9: {  	v50 =	vmax.f32 v11, $0.0e+00;
	v6 =	vld [tilespmem:s17+$0x4040];
	v11 =	vmul.f32 v15, v11;
	v29 =	vmul.f32 v16, v20  }
0xda: {  	v35 =	vmax.f32 v22, $0.0e+00;
	v23 =	vsub.f32 v26, v28;
	v26 =	vsub.f32 v49, v48;
	v51 =	vpop (erf)  }
0xdb: {  	v10 =	vsub.f32 $0.0e+00, v5;
	v52 =	vsub.f32 v50, v11;
	v20 =	vmax.f32 v20, $0.0e+00;
	v21 =	vpop (erf)  }
0xdc: {  	v9 =	vsub.f32 $0.0e+00, v4;
	v8 =	vsub.f32 $0.0e+00, v3;
	v28 =	vmul.f32 $5.545931310e-02, v51;
	v24 =	vpop (erf)  }
0xdd: {  	v20 =	vsub.f32 v20, v29;
	v22 =	vmul.f32 v27, v22;
	v53 =	vmul.f32 $5.545931310e-02, v21;
	v29 =	vpop (erf)  }
0xde: {  	v7 =	vsub.f32 $0.0e+00, v6;
	v11 =	vmul.f32 $5.545931310e-02, v24;
	v28 =	vsub.f32 $2.186654810e-01, v28;
	v54 =	vpop (erf)  }
0xdf: {  	v22 =	vsub.f32 v35, v22;
	v56 =	vmul.f32 $5.545931310e-02, v29;
	v31 =	vsub.f32 $2.186654810e-01, v53;
	v37 =	vpop (erf)  }
0xe0: {  	v55 =	vmul.f32 $5.545931310e-02, v54;
	v11 =	vsub.f32 $2.186654810e-01, v11;
	v28 =	vmul.f32 v28, v51;
	v39 =	vpop (erf)  }
0xe1: {  	v38 =	vmul.f32 $5.545931310e-02, v37;
	v35 =	vsub.f32 $2.186654810e-01, v56;
	v31 =	vmul.f32 v31, v21;
	v41 =	vpop (erf)  }
0xe2: {  	v40 =	vmul.f32 $5.545931310e-02, v39;
	v33 =	vsub.f32 $2.186654810e-01, v55;
	v42 =	vmul.f32 $5.545931310e-02, v41  }
0xe3: {  	v11 =	vmul.f32 v11, v24;
	v28 =	vadd.f32 $-4.664424360e-01, v28;
	v38 =	vsub.f32 $2.186654810e-01, v38  }
0xe4: {  	v35 =	vmul.f32 v35, v29;
	v31 =	vadd.f32 $-4.664424360e-01, v31;
	v42 =	vsub.f32 $2.186654810e-01, v42  }
0xe5: {  	v40 =	vsub.f32 $2.186654810e-01, v40;
	v33 =	vmul.f32 v33, v54;
	v28 =	vmul.f32 v28, v51  }
0xe6: {  	v11 =	vadd.f32 $-4.664424360e-01, v11;
	v38 =	vmul.f32 v38, v37;
	v42 =	vmul.f32 v42, v41  }
0xe7: {  	v35 =	vadd.f32 $-4.664424360e-01, v35;
	v31 =	vmul.f32 v31, v21;
	v40 =	vmul.f32 v40, v39  }
0xe8: {  	v33 =	vadd.f32 $-4.664424360e-01, v33;
	v11 =	vmul.f32 v11, v24;
	v42 =	vadd.f32 $-4.664424360e-01, v42  }
0xe9: {  	v28 =	vadd.f32 $9.962619540e-01, v28;
	v38 =	vadd.f32 $-4.664424360e-01, v38;
	v35 =	vmul.f32 v35, v29  }
0xea: {  	v31 =	vadd.f32 $9.962619540e-01, v31;
	v40 =	vadd.f32 $-4.664424360e-01, v40;
	v42 =	vmul.f32 v42, v41  }
0xeb: {  	v33 =	vmul.f32 v33, v54;
	v11 =	vadd.f32 $9.962619540e-01, v11;
	v28 =	vmul.f32 v28, v51  }
0xec: {  	v38 =	vmul.f32 v38, v37;
	v40 =	vmul.f32 v40, v39;
	v42 =	vadd.f32 $9.962619540e-01, v42  }
0xed: {  	v35 =	vadd.f32 $9.962619540e-01, v35;
	v21 =	vmul.f32 v31, v21;
	v33 =	vadd.f32 $9.962619540e-01, v33  }
0xee: {  	v11 =	vmul.f32 v11, v24;
	v40 =	vadd.f32 $9.962619540e-01, v40;
	v57 =	vmul.f32 v42, v41  }
0xef: {  	v28 =	vadd.f32 $6.944574120e-05, v28;
	v58 =	vadd.f32 $9.962619540e-01, v38;
	v29 =	vmul.f32 v35, v29  }
0xf0: {  	v61 =	vadd.f32 $6.944574120e-05, v21;
	v59 =	vmul.f32 v40, v39;
	v24 =	vadd.f32 $6.944574120e-05, v57  }
0xf1: {  	v60 =	vadd.f32 $6.944574120e-05, v11;
	v31 =	vmul.f32 v58, v37;
	v29 =	vadd.f32 $6.944574120e-05, v29  }
0xf2: {  	v21 =	vadd.f32 v24, v22;
	v22 =	vadd.f32 $6.944574120e-05, v59;
	v24 =	vmul.f32 v33, v54  }
0xf3: {  	v31 =	vadd.f32 $6.944574120e-05, v31;
	v19 =	vadd.f32 v29, v19  }
0xf4: {  	v62 =	vmul.f32 v21, v27;
	v22 =	vadd.f32 v22, v52;
	v24 =	vadd.f32 $6.944574120e-05, v24  }
0xf5: {  	v2 =	vadd.f32 v21, v2;
	v21 =	vadd.f32 v31, v26  }
0xf6: {  	v27 =	vadd.f32 v27, v13;
	v26 =	vadd.f32 v62, v12;
	v30 =	vmul.f32 v22, v15  }
0xf7: {  	v11 =	vld [tilespmem:s17+$0x6070];
	v2 =	vadd.f32 v22, v2;
	v20 =	vadd.f32 v24, v20  }
0xf8: {  	v24 =	vadd.f32 v15, v27;
	v22 =	vadd.f32 v30, v26;
	v26 =	vmul.f32 v21, v17  }
0xf9: {  	v29 =	vmul.f32 v19, v18;
	v12 =	vld [tilespmem:s17+$0x6060];
	v27 =	vadd.f32 v60, v23;
	v2 =	vadd.f32 v21, v2  }
0xfa: {  	v21 =	vadd.f32 v26, v22;
	v22 =	vadd.f32 v17, v24;
	v24 =	vmul.f32 v20, v16  }
0xfb: {  	v13 =	vmax.f32 v5, $0.0e+00;
	v23 =	vadd.f32 v61, v25;
	v20 =	vadd.f32 v20, v2;
	v2 =	vld [tilespmem:s17+$0x6050]  }
0xfc: {  	v15 =	vmul.f32 v11, v5;
	v26 =	vadd.f32 v24, v21;
	v22 =	vadd.f32 v16, v22;
	v24 =	vld [tilespmem:s17+$0x4030]  }
0xfd: {  	v63 =	vmul.f32 v27, v14;
	v17 =	vmax.f32 v4, $0.0e+00;
	v19 =	vadd.f32 v19, v20;
	v16 =	vld [tilespmem:s17+$0x6040]  }
0xfe: {  	v21 =	vmul.f32 v12, v4;
	v20 =	vadd.f32 v29, v26;
	v29 =	vadd.f32 v18, v22;
	v26 =	vld [tilespmem:s17+$0x4020]  }
0xff: {  	v22 =	vmax.f32 v3, $0.0e+00;
	v27 =	vadd.f32 v27, v19;
	v18 =	vadd.f32 v28, v36  }
0x100: {  	s19 =	simm.s32 $0x2;
	v25 =	vld [tilespmem:s17+$0x4010];
	v19 =	vadd.f32 v63, v20;
	v14 =	vadd.f32 v14, v29;
	v20 =	vmul.f32 v23, v1  }
.LBB2_4:
0x101: {  	p0 =	sne.s32 s19, $0x3F;
	v28 =	vld [tilespmem:s17+$0x4000];
	v29 =	vsub.f32 $0.0e+00, v24;
	v30 =	vmul.f32 v2, v3;
	v23 =	vadd.f32 v23, v27  }
0x102: {  	v27 =	vmul.f32 v18, v0;
	v19 =	vadd.f32 v20, v19;
	v20 =	vadd.f32 v1, v14;
	v1 =	vmovc v12  }
0x103: {  	v32 =	vmul.f32 v16, v6;
	v14 =	vmovc v16;
	v31 =	vsub.f32 $0.0e+00, v26;
	v12 =	vadd.f32 v18, v23  }
0x104: {  	s20 =	sshll.u32 s19, $0x7;
	v5 =	vmin.f32 v5, v10;
	s18 =	sadd.s32 $0x400, s18;
	v19 =	vadd.f32 v27, v19;
	v20 =	vadd.f32 v0, v20;
	v0 =	vmovc v11  }
0x105: {  	s22 =	sshll.u32 s19, $0x5;
	v4 =	vmin.f32 v4, v9;
	s21 =	sand.u32 $0xC00, s18;
	s20 =	sand.u32 $0x1000, s20;
	v5 =	vmul.f32 $1.442695020e+00, v5;
	v10 =	vsub.f32 $0.0e+00, v25;
	v16 =	vld [tilespmem:s17+$0x6030]  }
0x106: {  	v3 =	vmin.f32 v3, v8;
	v4 =	vmul.f32 $1.442695020e+00, v4;
	s20 =	sor.u32 s21, s20;
	s21 =	sand.u32 $0x380, s22;
	v9 =	vsub.f32 $0.0e+00, v28;
	v18 =	vld [tilespmem:s17+$0x6020]  }
0x107: {  	v7 =	vmin.f32 v6, v7;
	v3 =	vmul.f32 $1.442695020e+00, v3;
	s20 =	sor.u32 s21, s20;
	v23 =	vld [tilespmem:s17+$0x6010];
	(erf) = vpow2.f32 v5  }
0x108: {  	v7 =	vmul.f32 $1.442695020e+00, v7;
	v8 =	vmin.f32 v24, v29;
	v5 =	vld [tilespmem:s20+$0x4070];
	(erf) = vpow2.f32 v4  }
0x109: {  	v8 =	vmul.f32 $1.442695020e+00, v8;
	v11 =	vmin.f32 v26, v31;
	v4 =	vld [tilespmem:s20+$0x4060];
	(erf) = vpow2.f32 v3  }
0x10a: {  	v11 =	vmul.f32 $1.442695020e+00, v11;
	v10 =	vmin.f32 v25, v10;
	v3 =	vld [tilespmem:s20+$0x4050];
	(erf) = vpow2.f32 v7  }
0x10b: {  	v7 =	vmin.f32 v28, v9;
	v9 =	vmul.f32 $1.442695020e+00, v10;
	v29 =	vld [tilespmem:s20+$0x4040];
	(erf) = vpow2.f32 v8  }
0x10c: {  	v6 =	vmax.f32 v6, $0.0e+00;
	v7 =	vmul.f32 $1.442695020e+00, v7;
	(erf) = vpow2.f32 v11  }
0x10d: {  	v11 =	vmul.f32 v16, v24;
	v24 =	vmax.f32 v24, $0.0e+00;
	v27 =	vld [tilespmem:s17+$0x6000];
	(erf) = vpow2.f32 v9;
	s17 =	smov.u32 s20  }
0x10e: {  	v33 =	vmax.f32 v26, $0.0e+00;
	v31 =	vmul.f32 v18, v26;
	(erf) = vpow2.f32 v7  }
0x10f: {  	v34 =	vmax.f32 v25, $0.0e+00;
	v10 =	vsub.f32 $0.0e+00, v5;
	v9 =	vsub.f32 $0.0e+00, v4  }
0x110: {  	v35 =	vmul.f32 v23, v25;
	v8 =	vsub.f32 $0.0e+00, v3;
	v7 =	vsub.f32 $0.0e+00, v29;
	v36 =	vpop (erf)  }
0x111: {  	v37 =	vmax.f32 v28, $0.0e+00;
	v26 =	vsub.f32 v17, v21;
	v25 =	vsub.f32 v13, v15;
	v13 =	vpop (erf)  }
0x112: {  	v17 =	vsub.f32 v6, v32;
	v21 =	vsub.f32 v22, v30;
	v15 =	vmul.f32 v27, v28;
	v22 =	vpop (erf)  }
0x113: {  	v24 =	vsub.f32 v24, v11;
	v6 =	vmul.f32 $5.545931310e-02, v36;
	v28 =	vsub.f32 v33, v31;
	v11 =	vpop (erf)  }
0x114: {  	v30 =	vsub.f32 v34, v35;
	v32 =	vmul.f32 $5.545931310e-02, v13;
	v31 =	vmul.f32 $5.545931310e-02, v22;
	v33 =	vpop (erf)  }
0x115: {  	v15 =	vsub.f32 v37, v15;
	v35 =	vmul.f32 $5.545931310e-02, v11;
	v34 =	vmul.f32 $5.545931310e-02, v33;
	v37 =	vpop (erf)  }
0x116: {  	v39 =	vsub.f32 $2.186654810e-01, v6;
	v32 =	vsub.f32 $2.186654810e-01, v32;
	v38 =	vmul.f32 $5.545931310e-02, v37;
	v40 =	vpop (erf)  }
0x117: {  	v31 =	vsub.f32 $2.186654810e-01, v31;
	v35 =	vsub.f32 $2.186654810e-01, v35;
	v41 =	vmul.f32 $5.545931310e-02, v40;
	v42 =	vpop (erf)  }
0x118: {  	v6 =	vmovc v29;
	v34 =	vsub.f32 $2.186654810e-01, v34;
	v43 =	vmul.f32 $5.545931310e-02, v42;
	v38 =	vsub.f32 $2.186654810e-01, v38  }
0x119: {  	v39 =	vmul.f32 v39, v36;
	v32 =	vmul.f32 v32, v13;
	v29 =	vsub.f32 $2.186654810e-01, v41  }
0x11a: {  	v31 =	vmul.f32 v31, v22;
	v35 =	vmul.f32 v35, v11;
	v41 =	vsub.f32 $2.186654810e-01, v43  }
0x11b: {  	v39 =	vadd.f32 $-4.664424360e-01, v39;
	v34 =	vmul.f32 v34, v33;
	v38 =	vmul.f32 v38, v37  }
0x11c: {  	v32 =	vadd.f32 $-4.664424360e-01, v32;
	v31 =	vadd.f32 $-4.664424360e-01, v31;
	v41 =	vmul.f32 v41, v42  }
0x11d: {  	v35 =	vadd.f32 $-4.664424360e-01, v35;
	v29 =	vmul.f32 v29, v40;
	v34 =	vadd.f32 $-4.664424360e-01, v34  }
0x11e: {  	v39 =	vmul.f32 v39, v36;
	v32 =	vmul.f32 v32, v13;
	v41 =	vadd.f32 $-4.664424360e-01, v41  }
0x11f: {  	v31 =	vmul.f32 v31, v22;
	v38 =	vadd.f32 $-4.664424360e-01, v38;
	v35 =	vmul.f32 v35, v11  }
0x120: {  	v29 =	vadd.f32 $-4.664424360e-01, v29;
	v34 =	vmul.f32 v34, v33;
	v41 =	vmul.f32 v41, v42  }
0x121: {  	v39 =	vadd.f32 $9.962619540e-01, v39;
	v32 =	vadd.f32 $9.962619540e-01, v32;
	v38 =	vmul.f32 v38, v37  }
0x122: {  	v31 =	vadd.f32 $9.962619540e-01, v31;
	v29 =	vmul.f32 v29, v40;
	v41 =	vadd.f32 $9.962619540e-01, v41  }
0x123: {  	v36 =	vmul.f32 v39, v36;
	v35 =	vadd.f32 $9.962619540e-01, v35;
	v34 =	vadd.f32 $9.962619540e-01, v34  }
0x124: {  	v13 =	vmul.f32 v32, v13;
	v29 =	vadd.f32 $9.962619540e-01, v29;
	v39 =	vmul.f32 v41, v42  }
0x125: {  	v22 =	vmul.f32 v31, v22;
	v32 =	vadd.f32 $9.962619540e-01, v38;
	v11 =	vmul.f32 v35, v11  }
0x126: {  	v35 =	vadd.f32 $6.944574120e-05, v36;
	v29 =	vmul.f32 v29, v40;
	v31 =	vadd.f32 $6.944574120e-05, v39  }
0x127: {  	v36 =	vadd.f32 $6.944574120e-05, v13;
	v22 =	vadd.f32 $6.944574120e-05, v22;
	v32 =	vmul.f32 v32, v37  }
0x128: {  	v13 =	vadd.f32 v31, v15;
	v15 =	vadd.f32 $6.944574120e-05, v29;
	v29 =	vmul.f32 v34, v33  }
0x129: {  	v31 =	vadd.f32 $6.944574120e-05, v32;
	v32 =	vadd.f32 $6.944574120e-05, v11  }
0x12a: {  	v11 =	vld [tilespmem:s17+$0x6070];
	v33 =	vmul.f32 v13, v27;
	v15 =	vadd.f32 v15, v30;
	v29 =	vadd.f32 $6.944574120e-05, v29  }
0x12b: {  	v12 =	vadd.f32 v13, v12;
	v28 =	vadd.f32 v31, v28  }
0x12c: {  	v20 =	vadd.f32 v27, v20;
	v19 =	vadd.f32 v33, v19;
	v27 =	vmul.f32 v15, v23  }
0x12d: {  	v13 =	vmax.f32 v5, $0.0e+00;
	v30 =	vadd.f32 v15, v12;
	v24 =	vadd.f32 v29, v24  }
0x12e: {  	v20 =	vadd.f32 v23, v20;
	v23 =	vmul.f32 v28, v18;
	v12 =	vld [tilespmem:s17+$0x6060];
	v19 =	vadd.f32 v27, v19  }
0x12f: {  	v27 =	vadd.f32 v28, v30;
	v28 =	vadd.f32 v32, v17;
	v15 =	vmul.f32 v11, v5  }
0x130: {  	v18 =	vadd.f32 v18, v20;
	v20 =	vmul.f32 v24, v16;
	v19 =	vadd.f32 v23, v19  }
0x131: {  	v17 =	vmax.f32 v4, $0.0e+00;
	v23 =	vadd.f32 v24, v27;
	v27 =	vadd.f32 v22, v21;
	v29 =	vld [tilespmem:s17+$0x6050]  }
.Ltmp1:
0x132: {  	v18 =	vadd.f32 v16, v18;
	v24 =	vld [tilespmem:s17+$0x4030];
	v19 =	vadd.f32 v20, v19;
	v20 =	vmul.f32 v28, v14;
	(pc) =	sbr.rel @p0 .LBB2_4-.Ltmp1, $4  }
0x133: {  	v28 =	vadd.f32 v28, v23;
	v23 =	vadd.f32 v36, v26;
	v16 =	vld [tilespmem:s17+$0x6040];
	v21 =	vmul.f32 v12, v4  }
0x134: {  	v14 =	vadd.f32 v14, v18;
	v26 =	vld [tilespmem:s17+$0x4020];
	v19 =	vadd.f32 v20, v19;
	v20 =	vmul.f32 v27, v2  }
0x135: {  	v22 =	vmax.f32 v3, $0.0e+00;
	v18 =	vadd.f32 v35, v25;
	v27 =	vadd.f32 v27, v28  }
0x136: {  	s19 =	sadd.s32 $0x1, s19;
	v14 =	vadd.f32 v2, v14;
	v25 =	vld [tilespmem:s17+$0x4010];
	v19 =	vadd.f32 v20, v19;
	v20 =	vmul.f32 v23, v1;
	v2 =	vmovc v29  }
0x137: {  	v29 =	vsub.f32 $0.0e+00, v24;
	v30 =	vmul.f32 v2, v3  }
0x138: {  	v28 =	vld [tilespmem:s17+$0x4000];
	v5 =	vmin.f32 v5, v10;
	v4 =	vmin.f32 v4, v9;
	v47 =	vmin.f32 v3, v8  }
0x139: {  	v7 =	vmin.f32 v6, v7;
	v5 =	vmul.f32 $1.442695020e+00, v5;
	v4 =	vmul.f32 $1.442695020e+00, v4  }
0x13a: {  	v3 =	vmul.f32 $1.442695020e+00, v47;
	v7 =	vmul.f32 $1.442695020e+00, v7;
	v1 =	vadd.f32 v1, v14  }
0x13b: {  	v31 =	vsub.f32 $0.0e+00, v26;
	v48 =	vmin.f32 v24, v29;
	(erf) = vpow2.f32 v5  }
0x13c: {  	v5 =	vmul.f32 $1.442695020e+00, v48;
	v45 =	vsub.f32 $0.0e+00, v25;
	(erf) = vpow2.f32 v4  }
0x13d: {  	v49 =	vmin.f32 v26, v31;
	v46 =	vsub.f32 $0.0e+00, v28;
	(erf) = vpow2.f32 v3  }
0x13e: {  	v4 =	vmul.f32 $1.442695020e+00, v49;
	v50 =	vmin.f32 v25, v45;
	(erf) = vpow2.f32 v7  }
0x13f: {  	v14 =	vld [tilespmem:s17+$0x6000];
	v9 =	vmin.f32 v28, v46;
	v8 =	vmul.f32 $1.442695020e+00, v50;
	(erf) = vpow2.f32 v5  }
0x140: {  	v9 =	vmul.f32 $1.442695020e+00, v9;
	(erf) = vpow2.f32 v4  }
0x141: {  	v23 =	vadd.f32 v23, v27;
	v44 =	vmul.f32 v18, v0;
	v10 =	vld [tilespmem:s17+$0x6010];
	(erf) = vpow2.f32 v8  }
0x142: {  	v53 =	vmax.f32 v6, $0.0e+00;
	v0 =	vadd.f32 v0, v1;
	v3 =	vld [tilespmem:s17+$0x6030];
	(erf) = vpow2.f32 v9  }
0x143: {  	v17 =	vsub.f32 v17, v21;
	v13 =	vsub.f32 v13, v15;
	v52 =	vmul.f32 v16, v6;
	v7 =	vld [tilespmem:s17+$0x6020]  }
0x144: {  	v55 =	vmax.f32 v24, $0.0e+00;
	v51 =	vadd.f32 v20, v19;
	v0 =	vadd.f32 v14, v0;
	v58 =	vpop (erf)  }
0x145: {  	v57 =	vmax.f32 v26, $0.0e+00;
	v22 =	vsub.f32 v22, v30;
	v1 =	vsub.f32 v53, v52;
	v61 =	vpop (erf)  }
0x146: {  	v59 =	vmax.f32 v25, $0.0e+00;
	v35 =	vmul.f32 v14, v28;
	v0 =	vadd.f32 v10, v0;
	v63 =	vpop (erf)  }
0x147: {  	v60 =	vmul.f32 v10, v25;
	v62 =	vmax.f32 v28, $0.0e+00;
	v5 =	vadd.f32 v44, v51;
	v36 =	vpop (erf)  }
0x148: {  	v15 =	vsub.f32 v62, v35;
	v54 =	vmul.f32 v3, v24;
	v0 =	vadd.f32 v7, v0;
	v39 =	vpop (erf)  }
0x149: {  	v8 =	vadd.f32 v18, v23;
	v23 =	vsub.f32 v59, v60;
	v56 =	vmul.f32 v7, v26;
	v42 =	vpop (erf)  }
0x14a: {  	v6 =	vsub.f32 v55, v54;
	v37 =	vmul.f32 $5.545931310e-02, v58;
	v0 =	vadd.f32 v3, v0;
	v45 =	vpop (erf)  }
0x14b: {  	v18 =	vsub.f32 v57, v56;
	v40 =	vmul.f32 $5.545931310e-02, v61;
	v38 =	vmul.f32 $5.545931310e-02, v63;
	v33 =	vpop (erf)  }
0x14c: {  	v9 =	vsub.f32 $2.186654810e-01, v37;
	v0 =	vadd.f32 v16, v0;
	v34 =	vmul.f32 $5.545931310e-02, v33  }
0x14d: {  	v43 =	vmul.f32 $5.545931310e-02, v36;
	v24 =	vsub.f32 $2.186654810e-01, v40;
	v41 =	vmul.f32 $5.545931310e-02, v39  }
0x14e: {  	v26 =	vsub.f32 $2.186654810e-01, v38;
	v32 =	vmul.f32 $5.545931310e-02, v45;
	v34 =	vsub.f32 $2.186654810e-01, v34  }
0x14f: {  	v9 =	vmul.f32 v9, v58;
	v0 =	vadd.f32 v2, v0;
	v44 =	vmul.f32 $5.545931310e-02, v42  }
0x150: {  	v25 =	vsub.f32 $2.186654810e-01, v43;
	v32 =	vsub.f32 $2.186654810e-01, v32;
	v34 =	vmul.f32 v34, v33  }
0x151: {  	v24 =	vmul.f32 v24, v61;
	v28 =	vsub.f32 $2.186654810e-01, v41;
	v26 =	vmul.f32 v26, v63  }
0x152: {  	v30 =	vsub.f32 $2.186654810e-01, v44;
	v32 =	vmul.f32 v32, v45;
	v34 =	vadd.f32 $-4.664424360e-01, v34  }
0x153: {  	v9 =	vadd.f32 $-4.664424360e-01, v9;
	v25 =	vmul.f32 v25, v36;
	v24 =	vadd.f32 $-4.664424360e-01, v24  }
0x154: {  	v30 =	vmul.f32 v30, v42;
	v32 =	vadd.f32 $-4.664424360e-01, v32;
	v34 =	vmul.f32 v34, v33  }
0x155: {  	v28 =	vmul.f32 v28, v39;
	v26 =	vadd.f32 $-4.664424360e-01, v26;
	v9 =	vmul.f32 v9, v58  }
0x156: {  	v30 =	vadd.f32 $-4.664424360e-01, v30;
	v32 =	vmul.f32 v32, v45;
	v34 =	vadd.f32 $9.962619540e-01, v34  }
0x157: {  	v25 =	vadd.f32 $-4.664424360e-01, v25;
	v24 =	vmul.f32 v24, v61;
	v28 =	vadd.f32 $-4.664424360e-01, v28  }
0x158: {  	v30 =	vmul.f32 v30, v42;
	v32 =	vadd.f32 $9.962619540e-01, v32;
	v33 =	vmul.f32 v34, v33  }
0x159: {  	v26 =	vmul.f32 v26, v63;
	v9 =	vadd.f32 $9.962619540e-01, v9;
	v28 =	vmul.f32 v28, v39  }
0x15a: {  	v46 =	vadd.f32 $9.962619540e-01, v30;
	v48 =	vmul.f32 v32, v45;
	v47 =	vadd.f32 $6.944574120e-05, v33  }
0x15b: {  	v25 =	vmul.f32 v25, v36;
	v24 =	vadd.f32 $9.962619540e-01, v24;
	v28 =	vadd.f32 $9.962619540e-01, v28  }
0x15c: {  	v20 =	vmul.f32 v46, v42;
	v49 =	vadd.f32 $6.944574120e-05, v48;
	v15 =	vadd.f32 v47, v15  }
0x15d: {  	v26 =	vadd.f32 $9.962619540e-01, v26;
	v25 =	vadd.f32 $9.962619540e-01, v25;
	v50 =	vmul.f32 v28, v39  }
0x15e: {  	v20 =	vadd.f32 $6.944574120e-05, v20;
	v23 =	vadd.f32 v49, v23;
	v51 =	vmul.f32 v15, v14  }
0x15f: {  	v19 =	vmul.f32 v25, v36;
	v52 =	vadd.f32 $6.944574120e-05, v50;
	v8 =	vadd.f32 v15, v8  }
0x160: {  	v53 =	vadd.f32 v20, v18;
	v54 =	vmul.f32 v23, v10;
	v5 =	vadd.f32 v51, v5  }
0x161: {  	v4 =	vmul.f32 v26, v63;
	v19 =	vadd.f32 $6.944574120e-05, v19;
	v8 =	vadd.f32 v23, v8  }
0x162: {  	v6 =	vadd.f32 v52, v6;
	v55 =	vmul.f32 v53, v7;
	v5 =	vadd.f32 v54, v5  }
0x163: {  	v21 =	vmul.f32 v24, v61;
	v4 =	vadd.f32 $6.944574120e-05, v4;
	v8 =	vadd.f32 v53, v8  }
0x164: {  	v1 =	vadd.f32 v19, v1;
	v56 =	vmul.f32 v6, v3;
	v5 =	vadd.f32 v55, v5  }
0x165: {  	v9 =	vmul.f32 v9, v58;
	v21 =	vadd.f32 $6.944574120e-05, v21;
	v6 =	vadd.f32 v6, v8  }
0x166: {  	v4 =	vadd.f32 v4, v22;
	v57 =	vmul.f32 v1, v16;
	v5 =	vadd.f32 v56, v5  }
0x167: {  	v9 =	vadd.f32 $6.944574120e-05, v9;
	v1 =	vadd.f32 v1, v6  }
0x168: {  	v58 =	vadd.f32 v21, v17;
	v59 =	vmul.f32 v4, v2;
	v5 =	vadd.f32 v57, v5  }
0x169: {  	v0 =	vadd.f32 v12, v0;
	v1 =	vadd.f32 v4, v1  }
0x16a: {  	v60 =	vadd.f32 v9, v13;
	v61 =	vmul.f32 v58, v12;
	v5 =	vadd.f32 v59, v5  }
0x16b: {  	v1 =	vadd.f32 v58, v1  }
0x16c: {  	v0 =	vadd.f32 v11, v0;
	v63 =	vmul.f32 v60, v11;
	v62 =	vadd.f32 v61, v5  }
0x16d: {  	v1 =	vadd.f32 v60, v1  }
0x16e: {  	s16 =	sadd.s32 $0x1, s16;
	[tilespmem:$0x8020] =	vst v0;
	v2 =	vadd.f32 v63, v62  }
0x16f: {  	p0 =	sne.s32 s16, s8;
	[tilespmem:$0x8000] =	vst v1  }
.Ltmp2:
0x170: {  	[tilespmem:$0x8010] =	vst v2;
	(pc) =	sbr.rel @p0 .LBB2_1-.Ltmp2, $4  }
0x171: {  	[hbm4b:s7+s2] =	stream.linear.scatter [tilespmem:s14], [sflag:$0x3], $0x80, $0x38;
	[tilespmem:$0x8080] =	vst v63  }
0x172: {  	_ =	swait.ge [sflag:s15], $0x80  }
0x173: {  	[sflag:s15] =	ssyncset.done $0x0  }
0x174: {  	[sflag:s15] =	ssyncadd.s32 $0xFFFFFF80  }
0x175: {  	_ =	sfence.sel $0x180000  }
0x176: {  	[bflag:$0x0] =	sbarrier.arrive $0xFFFF  }
0x177: {  	p0 =	sne.s32 s0, $0x0;
	_ =	strace $0x90000047  }
0x178: {  	s0 =	sadd.s32 @!p0 $0x100000, s1;
	[bflag:$0x2] =	sbarrier.arrive $0xFFFF  }
0x179: {  	[sflag:s0] =	ssyncadd.tile.s32 @!p0 $0x1;
	_ =	shalt  }
.Lfunc_end2:
_tile_overlayer_lowered:
.L_overlay_start_2:
0x17a: {  	(tag) =	ssettag $0x2  }
0x17b: {  	s0 =	rddreg [dreg:$0x0];
	s2 =	stileid.u32  }
0x17c: {  	s1 =	rddreg [dreg:$0x1];
	p0 =	sne.s32 s2, $0x0  }
0x17d: {  	s3 =	rddreg [dreg:$0x2];
	[bflag:$0x3] =	sbarrier.arrive $0xFFFF;
	s2 =	simm.s32 @!p0 $0x1C03  }
0x17e: {  	[timem:s3], [sflag:s2] =	dma.local @!p0 [hbm:s0], s1  }
0x17f: {  	s0 =	simm.s32 @!p0 $0x3  }
0x180: {  	_ =	swait.ge @!p0 [sflag:s0], s1  }
0x181: {  	s1 =	ssub.s32 @!p0 $0x0, s1;
	[sflag:s0] =	ssyncset.done @!p0 $0x0  }
0x182: {  	[sflag:s0] =	ssyncadd.s32 @!p0 s1  }
0x183: {  	[bflag:$0x3] =	sbarrier.arrive $0xFFFF  }
0x184: {  	_ =	shalt  }

</sc_bundles>
